<compile_context>
chip_gen: v7x
topology: tpu7x:2x2x1
jax: 0.10.2.dev20260603
libtpu: 0.0.44.dev20260713+nightly
codegen_flags: <defaults>
</compile_context>

<pallas_src>
import jax
import jax.numpy as jnp
from jax import lax
from jax.experimental import pallas as pl
from jax.experimental.pallas import tpu as pltpu
from jax.experimental.pallas import tpu_sc as plsc

VOCAB = 10000
D = 128
T = 10
B = 16384

NC = 2
NS = 16
NW = NC * NS
BPW = B // NW
CHUNK = 128
NCHUNK = BPW // CHUNK
L = 16

_SLAB = 624
_LAST = VOCAB - (NS - 1) * _SLAB


def _body(idx_hbm, table_hbm, out_hbm, table_sp, idxt_v, acc_v,
          wsem0, wsem1, asem0, asem1, osem0, osem1):
    sid = lax.axis_index("s")
    wid = sid * NC + lax.axis_index("c")
    base = wid * BPW
    wsems = [wsem0, wsem1]
    asems = [asem0, asem1]
    osems = [osem0, osem1]

    pltpu.sync_copy(idx_hbm.at[:, pl.ds(base, BPW)], idxt_v)

    def fire_write(c, src):
        buf = c % 2
        co = c * CHUNK
        pltpu.async_copy(
            src.at[idxt_v.at[0, pl.ds(co, CHUNK)]], acc_v.at[buf], wsems[buf]
        )

    fire_write(0, table_hbm)
    fire_write(1, table_hbm)

    slab = jnp.where(sid == NS - 1, _LAST, _SLAB)
    pltpu.sync_copy(
        table_hbm.at[pl.ds(sid * _SLAB, slab), :],
        table_sp.at[pl.ds(sid * _SLAB, slab), :],
    )
    plsc.subcore_barrier()

    def fire_adds(c):
        buf = c % 2
        co = c * CHUNK
        pltpu.make_async_copy(
            table_hbm.at[pl.ds(0, CHUNK), :], acc_v.at[buf], wsems[buf]
        ).wait()

        @pl.loop(1, T)
        def _(t):
            pltpu.async_copy(
                table_sp.at[idxt_v.at[t, pl.ds(co, CHUNK)]],
                acc_v.at[buf],
                asems[buf],
                add=True,
            )

    scale = jnp.float32(1.0 / T)

    def drain_ship(c):
        buf = c % 2
        co = c * CHUNK

        @pl.loop(1, T)
        def _(t):
            pltpu.make_async_copy(
                table_hbm.at[pl.ds(0, CHUNK), :], acc_v.at[buf], asems[buf]
            ).wait()

        @pl.loop(0, CHUNK)
        def _(i):
            for d in range(D // L):
                acc_v[buf, i, pl.ds(d * L, L)] = acc_v[buf, i, pl.ds(d * L, L)] * scale

        pltpu.async_copy(
            acc_v.at[buf], out_hbm.at[pl.ds(base + co, CHUNK), :], osems[buf]
        )

    fire_adds(0)
    fire_adds(1)
    for c in range(NCHUNK):
        drain_ship(c)
        if c + 2 < NCHUNK:
            buf = c % 2
            pltpu.make_async_copy(
                acc_v.at[buf], out_hbm.at[pl.ds(base, CHUNK), :], osems[buf]
            ).wait()
            fire_write(c + 2, table_sp)
            fire_adds(c + 2)
    for buf in range(2):
        pltpu.make_async_copy(
            acc_v.at[buf], out_hbm.at[pl.ds(base, CHUNK), :], osems[buf]
        ).wait()


@jax.jit
def _pooled_lookup(idx_t, table):
    mesh = plsc.VectorSubcoreMesh(core_axis_name="c", subcore_axis_name="s")
    return pl.kernel(
        _body,
        out_type=jax.ShapeDtypeStruct((B, D), jnp.float32),
        mesh=mesh,
        scratch_types=[
            pltpu.VMEM_SHARED((VOCAB, D), jnp.float32),
            pltpu.VMEM((T, BPW), jnp.int32),
            pltpu.VMEM((2, CHUNK, D), jnp.float32),
            pltpu.SemaphoreType.DMA,
            pltpu.SemaphoreType.DMA,
            pltpu.SemaphoreType.DMA,
            pltpu.SemaphoreType.DMA,
            pltpu.SemaphoreType.DMA,
            pltpu.SemaphoreType.DMA,
        ],
    )(idx_t, table)


def kernel(text, embedding):
    idx_t = text.astype(jnp.int32).T
    return _pooled_lookup(idx_t, embedding)

# --- scband reference (transcript-rebuilt; emitter-appended) ---
"""Pipeline reference for scband-text-encoder-8821862826687 (READ-ONLY COPY).

The authoritative reference and input builder live on the scoring server;
editing this copy changes nothing except your own understanding.
"""

import jax, jax.numpy as jnp
import numpy as np

VOCAB = 10000
EMBED_DIM = 128
TOK_LEN = 10
BATCH = 16384

def setup_inputs(seed: int = 0) -> dict:
    key = jax.random.key(seed)
    k1, k2 = jax.random.split(key)
    # 'text' stands in for the token ids. The original torch module ignores the
    # contents of `text` and draws fresh random tokens of shape (B, 10) each call;
    # for a deterministic reference we pass those tokens in directly.
    text = jax.random.randint(k1, (BATCH, TOK_LEN), 0, VOCAB, dtype=jnp.int64)
    # Embedding table parameter, nn.Embedding(10000, 128) init ~ N(0, 1)
    embedding = jax.random.normal(k2, (VOCAB, EMBED_DIM), dtype=jnp.float32)
    return {"text": text, "embedding": embedding}

def reference(text, embedding):
    # tokens = torch.randint(0, 10000, (text.shape[0], 10))  -> deterministic stand-in
    tokens = text
    emb = jnp.take(embedding, tokens, axis=0)  # [B, 10, 128]
    return emb.mean(axis=1)  # [B, 128]

if __name__ == "__main__":
    import jax
    _d = setup_inputs()
    print(jax.jit(kernel)(*tuple(_d.values())))

</pallas_src>

<mosaic_0001>
#map = affine_map<(d0, d1) -> (0, 0)>
module attributes {stable_mosaic.version = 14 : i64} {
  func.func @_body(%arg0: i32, %arg1: i32, %arg2: memref<10x16384xi32, #tpu.memory_space<hbm>>, %arg3: memref<10000x128xf32, #tpu.memory_space<hbm>>, %arg4: memref<16384x128xf32, #tpu.memory_space<hbm>>, %arg5: memref<10000x128xf32, #tpu.memory_space<vmem_shared>>, %arg6: memref<10x512xi32, #tpu.memory_space<vmem>>, %arg7: memref<2x128x128xf32, #tpu.memory_space<vmem>>, %arg8: memref<!tpu.dma_semaphore, #tpu.memory_space<semaphore_mem>>, %arg9: memref<!tpu.dma_semaphore, #tpu.memory_space<semaphore_mem>>, %arg10: memref<!tpu.dma_semaphore, #tpu.memory_space<semaphore_mem>>, %arg11: memref<!tpu.dma_semaphore, #tpu.memory_space<semaphore_mem>>, %arg12: memref<!tpu.dma_semaphore, #tpu.memory_space<semaphore_mem>>, %arg13: memref<!tpu.dma_semaphore, #tpu.memory_space<semaphore_mem>>) attributes {dimension_semantics = [#tpu.dimension_semantics<core_parallel>, #tpu.dimension_semantics<subcore_parallel>], iteration_bounds = array<i64: 2, 16>, scalar_prefetch = 0 : i64, scratch_operands = 9 : i64, tpu.core_type = #tpu.core_type<sc_vector_subcore>, window_params = [{transform_indices = #map}, {transform_indices = #map}, {transform_indices = #map}]} {
    %mul3A = arith.constant 2 : i32
    %mul3A_0 = arith.muli %arg1, %mul3A : i32
    %add3A = arith.addi %mul3A_0, %arg0 : i32
    %mul3A_1 = arith.constant 512 : i32
    %mul3A_2 = arith.muli %add3A, %mul3A_1 : i32
    "tpu.region"() ({
      %run_scoped3A = tpu.sem_alloc : memref<!tpu.dma_semaphore, #tpu.memory_space<semaphore_mem>>
      %dma_start3A_290 = arith.constant 0 : i32
      %dma_start3A_291 = tpu.memref_slice %arg2[%dma_start3A_290, %mul3A_2] : memref<10x16384xi32, #tpu.memory_space<hbm>> -> memref<10x512xi32, #tpu.memory_space<hbm>>
      %dma_start3A_292 = arith.constant 0 : i32
      %dma_start3A_293 = tpu.memref_slice %arg2[%dma_start3A_292, %mul3A_2] : memref<10x16384xi32, #tpu.memory_space<hbm>> -> memref<10x512xi32, #tpu.memory_space<hbm>>
      tpu.enqueue_dma source(%dma_start3A_293 : memref<10x512xi32, #tpu.memory_space<hbm>>) target(%arg6 : memref<10x512xi32, #tpu.memory_space<vmem>>) target_semaphore(%run_scoped3A : memref<!tpu.dma_semaphore, #tpu.memory_space<semaphore_mem>>)
      %dma_wait3A_294 = arith.constant 0 : i32
      %dma_wait3A_295 = tpu.memref_slice %arg2[%dma_wait3A_294, %mul3A_2] : memref<10x16384xi32, #tpu.memory_space<hbm>> -> memref<10x512xi32, #tpu.memory_space<hbm>>
      %dma_wait3A_296 = arith.constant 0 : i32
      %dma_wait3A_297 = tpu.memref_slice %arg2[%dma_wait3A_296, %mul3A_2] : memref<10x16384xi32, #tpu.memory_space<hbm>> -> memref<10x512xi32, #tpu.memory_space<hbm>>
      tpu.wait_dma2 semaphore(%run_scoped3A : memref<!tpu.dma_semaphore, #tpu.memory_space<semaphore_mem>>) src(%dma_wait3A_297 : memref<10x512xi32, #tpu.memory_space<hbm>>) dst(%arg6 : memref<10x512xi32, #tpu.memory_space<vmem>>)
      tpu.yield
    }) : () -> ()
    %dma_start3A = arith.constant 0 : i32
    %dma_start3A_3 = arith.constant 0 : i32
    %dma_start3A_4 = arith.constant 0 : i32
    %dma_start3A_5 = arith.constant 0 : i32
    %dma_start3A_6 = tpu.memref_slice %arg7[%dma_start3A_3, %dma_start3A_4, %dma_start3A_5] : memref<2x128x128xf32, #tpu.memory_space<vmem>> -> memref<1x128x128xf32, #tpu.memory_space<vmem>>
    %dma_start3A_7 = tpu.memref_squeeze %dma_start3A_6 : memref<1x128x128xf32, #tpu.memory_space<vmem>> -> memref<128x128xf32, #tpu.memory_space<vmem>>
    %dma_start3A_8 = arith.constant 0 : i32
    %dma_start3A_9 = tpu.memref_slice %arg6[%dma_start3A, %dma_start3A_8] : memref<10x512xi32, #tpu.memory_space<vmem>> -> memref<1x128xi32, #tpu.memory_space<vmem>>
    %dma_start3A_10 = tpu.memref_squeeze %dma_start3A_9 : memref<1x128xi32, #tpu.memory_space<vmem>> -> memref<128xi32, #tpu.memory_space<vmem>>
    %dma_start3A_11 = arith.constant 0 : i32
    %dma_start3A_12 = arith.constant 0 : i32
    %dma_start3A_13 = tpu.memref_slice %arg3[%dma_start3A_11, %dma_start3A_12] : memref<10000x128xf32, #tpu.memory_space<hbm>> -> memref<10000x128xf32, #tpu.memory_space<hbm>>
    tpu.enqueue_indirect_dma source(%dma_start3A_13 : memref<10000x128xf32, #tpu.memory_space<hbm>>) target(%dma_start3A_7 : memref<128x128xf32, #tpu.memory_space<vmem>>) offsets(%dma_start3A_10 : memref<128xi32, #tpu.memory_space<vmem>>) semaphore(%arg8 : memref<!tpu.dma_semaphore, #tpu.memory_space<semaphore_mem>>)
    %dma_start3A_14 = arith.constant 0 : i32
    %dma_start3A_15 = arith.constant 1 : i32
    %dma_start3A_16 = arith.constant 0 : i32
    %dma_start3A_17 = arith.constant 0 : i32
    %dma_start3A_18 = tpu.memref_slice %arg7[%dma_start3A_15, %dma_start3A_16, %dma_start3A_17] : memref<2x128x128xf32, #tpu.memory_space<vmem>> -> memref<1x128x128xf32, #tpu.memory_space<vmem>>
    %dma_start3A_19 = tpu.memref_squeeze %dma_start3A_18 : memref<1x128x128xf32, #tpu.memory_space<vmem>> -> memref<128x128xf32, #tpu.memory_space<vmem>>
    %dma_start3A_20 = arith.constant 128 : i32
    %dma_start3A_21 = tpu.memref_slice %arg6[%dma_start3A_14, %dma_start3A_20] : memref<10x512xi32, #tpu.memory_space<vmem>> -> memref<1x128xi32, #tpu.memory_space<vmem>>
    %dma_start3A_22 = tpu.memref_squeeze %dma_start3A_21 : memref<1x128xi32, #tpu.memory_space<vmem>> -> memref<128xi32, #tpu.memory_space<vmem>>
    %dma_start3A_23 = arith.constant 0 : i32
    %dma_start3A_24 = arith.constant 0 : i32
    %dma_start3A_25 = tpu.memref_slice %arg3[%dma_start3A_23, %dma_start3A_24] : memref<10000x128xf32, #tpu.memory_space<hbm>> -> memref<10000x128xf32, #tpu.memory_space<hbm>>
    tpu.enqueue_indirect_dma source(%dma_start3A_25 : memref<10000x128xf32, #tpu.memory_space<hbm>>) target(%dma_start3A_19 : memref<128x128xf32, #tpu.memory_space<vmem>>) offsets(%dma_start3A_22 : memref<128xi32, #tpu.memory_space<vmem>>) semaphore(%arg9 : memref<!tpu.dma_semaphore, #tpu.memory_space<semaphore_mem>>)
    %eq3A = arith.constant 15 : i32
    %eq3A_26 = arith.cmpi eq, %arg1, %eq3A : i32
    %jit3A = arith.constant 640 : i32
    %jit3A_27 = arith.constant 624 : i32
    %select_n3A = arith.select %eq3A_26, %jit3A, %jit3A_27 : i32
    %mul3A_28 = arith.constant 624 : i32
    %mul3A_29 = arith.muli %arg1, %mul3A_28 : i32
    %mul3A_30 = arith.constant 624 : i32
    %mul3A_31 = arith.muli %arg1, %mul3A_30 : i32
    "tpu.region"() ({
      %run_scoped3A = tpu.sem_alloc : memref<!tpu.dma_semaphore, #tpu.memory_space<semaphore_mem>>
      %dma_start3A_290 = arith.constant 0 : i32
      %dma_start3A_291 = tpu.memref_slice %arg5[%mul3A_31, %dma_start3A_290] <%select_n3A> : memref<10000x128xf32, #tpu.memory_space<vmem_shared>> -> memref<?x128xf32, #tpu.memory_space<vmem_shared>>
      %dma_start3A_292 = arith.constant 0 : i32
      %dma_start3A_293 = tpu.memref_slice %arg3[%mul3A_29, %dma_start3A_292] <%select_n3A> : memref<10000x128xf32, #tpu.memory_space<hbm>> -> memref<?x128xf32, #tpu.memory_space<hbm>>
      tpu.enqueue_dma source(%dma_start3A_293 : memref<?x128xf32, #tpu.memory_space<hbm>>) target(%dma_start3A_291 : memref<?x128xf32, #tpu.memory_space<vmem_shared>>) target_semaphore(%run_scoped3A : memref<!tpu.dma_semaphore, #tpu.memory_space<semaphore_mem>>)
      %dma_wait3A_294 = arith.constant 0 : i32
      %dma_wait3A_295 = tpu.memref_slice %arg5[%mul3A_31, %dma_wait3A_294] <%select_n3A> : memref<10000x128xf32, #tpu.memory_space<vmem_shared>> -> memref<?x128xf32, #tpu.memory_space<vmem_shared>>
      %dma_wait3A_296 = arith.constant 0 : i32
      %dma_wait3A_297 = tpu.memref_slice %arg3[%mul3A_29, %dma_wait3A_296] <%select_n3A> : memref<10000x128xf32, #tpu.memory_space<hbm>> -> memref<?x128xf32, #tpu.memory_space<hbm>>
      tpu.wait_dma2 semaphore(%run_scoped3A : memref<!tpu.dma_semaphore, #tpu.memory_space<semaphore_mem>>) src(%dma_wait3A_297 : memref<?x128xf32, #tpu.memory_space<hbm>>) dst(%dma_wait3A_295 : memref<?x128xf32, #tpu.memory_space<vmem_shared>>)
      tpu.yield
    }) : () -> ()
    %barrier3A = arith.constant 0 : index
    tpu.barrier barrier_id(%barrier3A)
    %dma_wait3A = arith.constant 0 : i32
    %dma_wait3A_32 = arith.constant 0 : i32
    %dma_wait3A_33 = arith.constant 0 : i32
    %dma_wait3A_34 = tpu.memref_slice %arg7[%dma_wait3A, %dma_wait3A_32, %dma_wait3A_33] : memref<2x128x128xf32, #tpu.memory_space<vmem>> -> memref<1x128x128xf32, #tpu.memory_space<vmem>>
    %dma_wait3A_35 = tpu.memref_squeeze %dma_wait3A_34 : memref<1x128x128xf32, #tpu.memory_space<vmem>> -> memref<128x128xf32, #tpu.memory_space<vmem>>
    %dma_wait3A_36 = arith.constant 0 : i32
    %dma_wait3A_37 = arith.constant 0 : i32
    %dma_wait3A_38 = tpu.memref_slice %arg3[%dma_wait3A_36, %dma_wait3A_37] : memref<10000x128xf32, #tpu.memory_space<hbm>> -> memref<128x128xf32, #tpu.memory_space<hbm>>
    %dma_wait3A_39 = arith.constant 0 : i32
    %dma_wait3A_40 = arith.constant 0 : i32
    %dma_wait3A_41 = tpu.memref_slice %arg7[%dma_wait3A, %dma_wait3A_39, %dma_wait3A_40] : memref<2x128x128xf32, #tpu.memory_space<vmem>> -> memref<1x128x128xf32, #tpu.memory_space<vmem>>
    %dma_wait3A_42 = tpu.memref_squeeze %dma_wait3A_41 : memref<1x128x128xf32, #tpu.memory_space<vmem>> -> memref<128x128xf32, #tpu.memory_space<vmem>>
    %dma_wait3A_43 = arith.constant 0 : i32
    %dma_wait3A_44 = arith.constant 0 : i32
    %dma_wait3A_45 = tpu.memref_slice %arg3[%dma_wait3A_43, %dma_wait3A_44] : memref<10000x128xf32, #tpu.memory_space<hbm>> -> memref<128x128xf32, #tpu.memory_space<hbm>>
    tpu.wait_dma2 semaphore(%arg8 : memref<!tpu.dma_semaphore, #tpu.memory_space<semaphore_mem>>) src(%dma_wait3A_45 : memref<128x128xf32, #tpu.memory_space<hbm>>) dst(%dma_wait3A_42 : memref<128x128xf32, #tpu.memory_space<vmem>>)
    %scan3A = arith.constant 0 : i32
    %scan3A_46 = arith.constant 9 : i32
    %scan3A_47 = arith.addi %scan3A, %scan3A_46 : i32
    %scan3A_48 = arith.constant 1 : i32
    scf.for %scan3A_290 = %scan3A to %scan3A_47 step %scan3A_48  : i32 {
      %mul3A_291 = arith.constant 1 : i32
      %mul3A_292 = arith.muli %scan3A_290, %mul3A_291 : i32
      %add3A_293 = arith.constant 1 : i32
      %add3A_294 = arith.addi %add3A_293, %mul3A_292 : i32
      %dma_start3A_295 = arith.constant 0 : i32
      %dma_start3A_296 = arith.constant 0 : i32
      %dma_start3A_297 = arith.constant 0 : i32
      %dma_start3A_298 = tpu.memref_slice %arg7[%dma_start3A_295, %dma_start3A_296, %dma_start3A_297] : memref<2x128x128xf32, #tpu.memory_space<vmem>> -> memref<1x128x128xf32, #tpu.memory_space<vmem>>
      %dma_start3A_299 = tpu.memref_squeeze %dma_start3A_298 : memref<1x128x128xf32, #tpu.memory_space<vmem>> -> memref<128x128xf32, #tpu.memory_space<vmem>>
      %dma_start3A_300 = arith.constant 0 : i32
      %dma_start3A_301 = tpu.memref_slice %arg6[%add3A_294, %dma_start3A_300] : memref<10x512xi32, #tpu.memory_space<vmem>> -> memref<1x128xi32, #tpu.memory_space<vmem>>
      %dma_start3A_302 = tpu.memref_squeeze %dma_start3A_301 : memref<1x128xi32, #tpu.memory_space<vmem>> -> memref<128xi32, #tpu.memory_space<vmem>>
      %dma_start3A_303 = arith.constant 0 : i32
      %dma_start3A_304 = arith.constant 0 : i32
      %dma_start3A_305 = tpu.memref_slice %arg5[%dma_start3A_303, %dma_start3A_304] : memref<10000x128xf32, #tpu.memory_space<vmem_shared>> -> memref<10000x128xf32, #tpu.memory_space<vmem_shared>>
      tpu.enqueue_indirect_dma source(%dma_start3A_305 : memref<10000x128xf32, #tpu.memory_space<vmem_shared>>) target(%dma_start3A_299 : memref<128x128xf32, #tpu.memory_space<vmem>>) offsets(%dma_start3A_302 : memref<128xi32, #tpu.memory_space<vmem>>) semaphore(%arg10 : memref<!tpu.dma_semaphore, #tpu.memory_space<semaphore_mem>>) {add = true}
    }
    %scan3A_49 = arith.constant 9 : i32
    %dma_wait3A_50 = arith.constant 1 : i32
    %dma_wait3A_51 = arith.constant 0 : i32
    %dma_wait3A_52 = arith.constant 0 : i32
    %dma_wait3A_53 = tpu.memref_slice %arg7[%dma_wait3A_50, %dma_wait3A_51, %dma_wait3A_52] : memref<2x128x128xf32, #tpu.memory_space<vmem>> -> memref<1x128x128xf32, #tpu.memory_space<vmem>>
    %dma_wait3A_54 = tpu.memref_squeeze %dma_wait3A_53 : memref<1x128x128xf32, #tpu.memory_space<vmem>> -> memref<128x128xf32, #tpu.memory_space<vmem>>
    %dma_wait3A_55 = arith.constant 0 : i32
    %dma_wait3A_56 = arith.constant 0 : i32
    %dma_wait3A_57 = tpu.memref_slice %arg3[%dma_wait3A_55, %dma_wait3A_56] : memref<10000x128xf32, #tpu.memory_space<hbm>> -> memref<128x128xf32, #tpu.memory_space<hbm>>
    %dma_wait3A_58 = arith.constant 0 : i32
    %dma_wait3A_59 = arith.constant 0 : i32
    %dma_wait3A_60 = tpu.memref_slice %arg7[%dma_wait3A_50, %dma_wait3A_58, %dma_wait3A_59] : memref<2x128x128xf32, #tpu.memory_space<vmem>> -> memref<1x128x128xf32, #tpu.memory_space<vmem>>
    %dma_wait3A_61 = tpu.memref_squeeze %dma_wait3A_60 : memref<1x128x128xf32, #tpu.memory_space<vmem>> -> memref<128x128xf32, #tpu.memory_space<vmem>>
    %dma_wait3A_62 = arith.constant 0 : i32
    %dma_wait3A_63 = arith.constant 0 : i32
    %dma_wait3A_64 = tpu.memref_slice %arg3[%dma_wait3A_62, %dma_wait3A_63] : memref<10000x128xf32, #tpu.memory_space<hbm>> -> memref<128x128xf32, #tpu.memory_space<hbm>>
    tpu.wait_dma2 semaphore(%arg9 : memref<!tpu.dma_semaphore, #tpu.memory_space<semaphore_mem>>) src(%dma_wait3A_64 : memref<128x128xf32, #tpu.memory_space<hbm>>) dst(%dma_wait3A_61 : memref<128x128xf32, #tpu.memory_space<vmem>>)
    %scan3A_65 = arith.constant 0 : i32
    %scan3A_66 = arith.constant 9 : i32
    %scan3A_67 = arith.addi %scan3A_65, %scan3A_66 : i32
    %scan3A_68 = arith.constant 1 : i32
    scf.for %scan3A_290 = %scan3A_65 to %scan3A_67 step %scan3A_68  : i32 {
      %mul3A_291 = arith.constant 1 : i32
      %mul3A_292 = arith.muli %scan3A_290, %mul3A_291 : i32
      %add3A_293 = arith.constant 1 : i32
      %add3A_294 = arith.addi %add3A_293, %mul3A_292 : i32
      %dma_start3A_295 = arith.constant 1 : i32
      %dma_start3A_296 = arith.constant 0 : i32
      %dma_start3A_297 = arith.constant 0 : i32
      %dma_start3A_298 = tpu.memref_slice %arg7[%dma_start3A_295, %dma_start3A_296, %dma_start3A_297] : memref<2x128x128xf32, #tpu.memory_space<vmem>> -> memref<1x128x128xf32, #tpu.memory_space<vmem>>
      %dma_start3A_299 = tpu.memref_squeeze %dma_start3A_298 : memref<1x128x128xf32, #tpu.memory_space<vmem>> -> memref<128x128xf32, #tpu.memory_space<vmem>>
      %dma_start3A_300 = arith.constant 128 : i32
      %dma_start3A_301 = tpu.memref_slice %arg6[%add3A_294, %dma_start3A_300] : memref<10x512xi32, #tpu.memory_space<vmem>> -> memref<1x128xi32, #tpu.memory_space<vmem>>
      %dma_start3A_302 = tpu.memref_squeeze %dma_start3A_301 : memref<1x128xi32, #tpu.memory_space<vmem>> -> memref<128xi32, #tpu.memory_space<vmem>>
      %dma_start3A_303 = arith.constant 0 : i32
      %dma_start3A_304 = arith.constant 0 : i32
      %dma_start3A_305 = tpu.memref_slice %arg5[%dma_start3A_303, %dma_start3A_304] : memref<10000x128xf32, #tpu.memory_space<vmem_shared>> -> memref<10000x128xf32, #tpu.memory_space<vmem_shared>>
      tpu.enqueue_indirect_dma source(%dma_start3A_305 : memref<10000x128xf32, #tpu.memory_space<vmem_shared>>) target(%dma_start3A_299 : memref<128x128xf32, #tpu.memory_space<vmem>>) offsets(%dma_start3A_302 : memref<128xi32, #tpu.memory_space<vmem>>) semaphore(%arg11 : memref<!tpu.dma_semaphore, #tpu.memory_space<semaphore_mem>>) {add = true}
    }
    %scan3A_69 = arith.constant 9 : i32
    %scan3A_70 = arith.constant 0 : i32
    %scan3A_71 = arith.constant 9 : i32
    %scan3A_72 = arith.addi %scan3A_70, %scan3A_71 : i32
    %scan3A_73 = arith.constant 1 : i32
    scf.for %scan3A_290 = %scan3A_70 to %scan3A_72 step %scan3A_73  : i32 {
      %mul3A_291 = arith.constant 1 : i32
      %mul3A_292 = arith.muli %scan3A_290, %mul3A_291 : i32
      %add3A_293 = arith.constant 1 : i32
      %add3A_294 = arith.addi %add3A_293, %mul3A_292 : i32
      %dma_wait3A_295 = arith.constant 0 : i32
      %dma_wait3A_296 = arith.constant 0 : i32
      %dma_wait3A_297 = arith.constant 0 : i32
      %dma_wait3A_298 = tpu.memref_slice %arg7[%dma_wait3A_295, %dma_wait3A_296, %dma_wait3A_297] : memref<2x128x128xf32, #tpu.memory_space<vmem>> -> memref<1x128x128xf32, #tpu.memory_space<vmem>>
      %dma_wait3A_299 = tpu.memref_squeeze %dma_wait3A_298 : memref<1x128x128xf32, #tpu.memory_space<vmem>> -> memref<128x128xf32, #tpu.memory_space<vmem>>
      %dma_wait3A_300 = arith.constant 0 : i32
      %dma_wait3A_301 = arith.constant 0 : i32
      %dma_wait3A_302 = tpu.memref_slice %arg3[%dma_wait3A_300, %dma_wait3A_301] : memref<10000x128xf32, #tpu.memory_space<hbm>> -> memref<128x128xf32, #tpu.memory_space<hbm>>
      %dma_wait3A_303 = arith.constant 0 : i32
      %dma_wait3A_304 = arith.constant 0 : i32
      %dma_wait3A_305 = tpu.memref_slice %arg7[%dma_wait3A_295, %dma_wait3A_303, %dma_wait3A_304] : memref<2x128x128xf32, #tpu.memory_space<vmem>> -> memref<1x128x128xf32, #tpu.memory_space<vmem>>
      %dma_wait3A_306 = tpu.memref_squeeze %dma_wait3A_305 : memref<1x128x128xf32, #tpu.memory_space<vmem>> -> memref<128x128xf32, #tpu.memory_space<vmem>>
      %dma_wait3A_307 = arith.constant 0 : i32
      %dma_wait3A_308 = arith.constant 0 : i32
      %dma_wait3A_309 = tpu.memref_slice %arg3[%dma_wait3A_307, %dma_wait3A_308] : memref<10000x128xf32, #tpu.memory_space<hbm>> -> memref<128x128xf32, #tpu.memory_space<hbm>>
      tpu.wait_dma2 semaphore(%arg10 : memref<!tpu.dma_semaphore, #tpu.memory_space<semaphore_mem>>) src(%dma_wait3A_309 : memref<128x128xf32, #tpu.memory_space<hbm>>) dst(%dma_wait3A_306 : memref<128x128xf32, #tpu.memory_space<vmem>>)
    }
    %scan3A_74 = arith.constant 9 : i32
    %scan3A_75 = arith.constant 1.000000e-01 : f32
    %scan3A_76 = arith.constant 0 : i32
    %scan3A_77 = arith.constant 128 : i32
    %scan3A_78 = arith.addi %scan3A_76, %scan3A_77 : i32
    %scan3A_79 = arith.constant 1 : i32
    scf.for %scan3A_290 = %scan3A_76 to %scan3A_78 step %scan3A_79  : i32 {
      %mul3A_291 = arith.constant 1 : i32
      %mul3A_292 = arith.muli %scan3A_290, %mul3A_291 : i32
      %add3A_293 = arith.constant 0 : i32
      %add3A_294 = arith.addi %add3A_293, %mul3A_292 : i32
      %get3A = arith.constant 0 : i32
      %get3A_295 = arith.index_cast %get3A : i32 to index
      %get3A_296 = arith.index_cast %add3A_294 : i32 to index
      %get3A_297 = arith.constant 0 : index
      %get3A_298 = tpu.vector_load %arg7[%get3A_295, %get3A_296, %get3A_297] {strides = array<i32>} : memref<2x128x128xf32, #tpu.memory_space<vmem>>, vector<1x1x16xf32>,
      %get3A_299 = vector.shape_cast %get3A_298 : vector<1x1x16xf32> to vector<16xf32>
      %mul3A_300 = vector.broadcast %scan3A_75 : f32 to vector<16xf32>
      %mul3A_301 = arith.mulf %get3A_299, %mul3A_300 : vector<16xf32>
      %swap3A = arith.constant 0 : i32
      %swap3A_302 = arith.index_cast %swap3A : i32 to index
      %swap3A_303 = arith.index_cast %add3A_294 : i32 to index
      %swap3A_304 = arith.constant 0 : index
      %swap3A_305 = tpu.vector_load %arg7[%swap3A_302, %swap3A_303, %swap3A_304] {strides = array<i32>} : memref<2x128x128xf32, #tpu.memory_space<vmem>>, vector<1x1x16xf32>,
      %swap3A_306 = vector.shape_cast %swap3A_305 : vector<1x1x16xf32> to vector<16xf32>
      %swap3A_307 = vector.shape_cast %mul3A_301 : vector<16xf32> to vector<1x1x16xf32>
      tpu.vector_store %arg7[%swap3A_302, %swap3A_303, %swap3A_304], %swap3A_307 {strides = array<i32>} : memref<2x128x128xf32, #tpu.memory_space<vmem>>, vector<1x1x16xf32>,
      %get3A_308 = arith.constant 0 : i32
      %get3A_309 = arith.index_cast %get3A_308 : i32 to index
      %get3A_310 = arith.index_cast %add3A_294 : i32 to index
      %get3A_311 = arith.constant 16 : index
      %get3A_312 = tpu.vector_load %arg7[%get3A_309, %get3A_310, %get3A_311] {strides = array<i32>} : memref<2x128x128xf32, #tpu.memory_space<vmem>>, vector<1x1x16xf32>,
      %get3A_313 = vector.shape_cast %get3A_312 : vector<1x1x16xf32> to vector<16xf32>
      %mul3A_314 = vector.broadcast %scan3A_75 : f32 to vector<16xf32>
      %mul3A_315 = arith.mulf %get3A_313, %mul3A_314 : vector<16xf32>
      %swap3A_316 = arith.constant 0 : i32
      %swap3A_317 = arith.index_cast %swap3A_316 : i32 to index
      %swap3A_318 = arith.index_cast %add3A_294 : i32 to index
      %swap3A_319 = arith.constant 16 : index
      %swap3A_320 = tpu.vector_load %arg7[%swap3A_317, %swap3A_318, %swap3A_319] {strides = array<i32>} : memref<2x128x128xf32, #tpu.memory_space<vmem>>, vector<1x1x16xf32>,
      %swap3A_321 = vector.shape_cast %swap3A_320 : vector<1x1x16xf32> to vector<16xf32>
      %swap3A_322 = vector.shape_cast %mul3A_315 : vector<16xf32> to vector<1x1x16xf32>
      tpu.vector_store %arg7[%swap3A_317, %swap3A_318, %swap3A_319], %swap3A_322 {strides = array<i32>} : memref<2x128x128xf32, #tpu.memory_space<vmem>>, vector<1x1x16xf32>,
      %get3A_323 = arith.constant 0 : i32
      %get3A_324 = arith.index_cast %get3A_323 : i32 to index
      %get3A_325 = arith.index_cast %add3A_294 : i32 to index
      %get3A_326 = arith.constant 32 : index
      %get3A_327 = tpu.vector_load %arg7[%get3A_324, %get3A_325, %get3A_326] {strides = array<i32>} : memref<2x128x128xf32, #tpu.memory_space<vmem>>, vector<1x1x16xf32>,
      %get3A_328 = vector.shape_cast %get3A_327 : vector<1x1x16xf32> to vector<16xf32>
      %mul3A_329 = vector.broadcast %scan3A_75 : f32 to vector<16xf32>
      %mul3A_330 = arith.mulf %get3A_328, %mul3A_329 : vector<16xf32>
      %swap3A_331 = arith.constant 0 : i32
      %swap3A_332 = arith.index_cast %swap3A_331 : i32 to index
      %swap3A_333 = arith.index_cast %add3A_294 : i32 to index
      %swap3A_334 = arith.constant 32 : index
      %swap3A_335 = tpu.vector_load %arg7[%swap3A_332, %swap3A_333, %swap3A_334] {strides = array<i32>} : memref<2x128x128xf32, #tpu.memory_space<vmem>>, vector<1x1x16xf32>,
      %swap3A_336 = vector.shape_cast %swap3A_335 : vector<1x1x16xf32> to vector<16xf32>
      %swap3A_337 = vector.shape_cast %mul3A_330 : vector<16xf32> to vector<1x1x16xf32>
      tpu.vector_store %arg7[%swap3A_332, %swap3A_333, %swap3A_334], %swap3A_337 {strides = array<i32>} : memref<2x128x128xf32, #tpu.memory_space<vmem>>, vector<1x1x16xf32>,
      %get3A_338 = arith.constant 0 : i32
      %get3A_339 = arith.index_cast %get3A_338 : i32 to index
      %get3A_340 = arith.index_cast %add3A_294 : i32 to index
      %get3A_341 = arith.constant 48 : index
      %get3A_342 = tpu.vector_load %arg7[%get3A_339, %get3A_340, %get3A_341] {strides = array<i32>} : memref<2x128x128xf32, #tpu.memory_space<vmem>>, vector<1x1x16xf32>,
      %get3A_343 = vector.shape_cast %get3A_342 : vector<1x1x16xf32> to vector<16xf32>
      %mul3A_344 = vector.broadcast %scan3A_75 : f32 to vector<16xf32>
      %mul3A_345 = arith.mulf %get3A_343, %mul3A_344 : vector<16xf32>
      %swap3A_346 = arith.constant 0 : i32
      %swap3A_347 = arith.index_cast %swap3A_346 : i32 to index
      %swap3A_348 = arith.index_cast %add3A_294 : i32 to index
      %swap3A_349 = arith.constant 48 : index
      %swap3A_350 = tpu.vector_load %arg7[%swap3A_347, %swap3A_348, %swap3A_349] {strides = array<i32>} : memref<2x128x128xf32, #tpu.memory_space<vmem>>, vector<1x1x16xf32>,
      %swap3A_351 = vector.shape_cast %swap3A_350 : vector<1x1x16xf32> to vector<16xf32>
      %swap3A_352 = vector.shape_cast %mul3A_345 : vector<16xf32> to vector<1x1x16xf32>
      tpu.vector_store %arg7[%swap3A_347, %swap3A_348, %swap3A_349], %swap3A_352 {strides = array<i32>} : memref<2x128x128xf32, #tpu.memory_space<vmem>>, vector<1x1x16xf32>,
      %get3A_353 = arith.constant 0 : i32
      %get3A_354 = arith.index_cast %get3A_353 : i32 to index
      %get3A_355 = arith.index_cast %add3A_294 : i32 to index
      %get3A_356 = arith.constant 64 : index
      %get3A_357 = tpu.vector_load %arg7[%get3A_354, %get3A_355, %get3A_356] {strides = array<i32>} : memref<2x128x128xf32, #tpu.memory_space<vmem>>, vector<1x1x16xf32>,
      %get3A_358 = vector.shape_cast %get3A_357 : vector<1x1x16xf32> to vector<16xf32>
      %mul3A_359 = vector.broadcast %scan3A_75 : f32 to vector<16xf32>
      %mul3A_360 = arith.mulf %get3A_358, %mul3A_359 : vector<16xf32>
      %swap3A_361 = arith.constant 0 : i32
      %swap3A_362 = arith.index_cast %swap3A_361 : i32 to index
      %swap3A_363 = arith.index_cast %add3A_294 : i32 to index
      %swap3A_364 = arith.constant 64 : index
      %swap3A_365 = tpu.vector_load %arg7[%swap3A_362, %swap3A_363, %swap3A_364] {strides = array<i32>} : memref<2x128x128xf32, #tpu.memory_space<vmem>>, vector<1x1x16xf32>,
      %swap3A_366 = vector.shape_cast %swap3A_365 : vector<1x1x16xf32> to vector<16xf32>
      %swap3A_367 = vector.shape_cast %mul3A_360 : vector<16xf32> to vector<1x1x16xf32>
      tpu.vector_store %arg7[%swap3A_362, %swap3A_363, %swap3A_364], %swap3A_367 {strides = array<i32>} : memref<2x128x128xf32, #tpu.memory_space<vmem>>, vector<1x1x16xf32>,
      %get3A_368 = arith.constant 0 : i32
      %get3A_369 = arith.index_cast %get3A_368 : i32 to index
      %get3A_370 = arith.index_cast %add3A_294 : i32 to index
      %get3A_371 = arith.constant 80 : index
      %get3A_372 = tpu.vector_load %arg7[%get3A_369, %get3A_370, %get3A_371] {strides = array<i32>} : memref<2x128x128xf32, #tpu.memory_space<vmem>>, vector<1x1x16xf32>,
      %get3A_373 = vector.shape_cast %get3A_372 : vector<1x1x16xf32> to vector<16xf32>
      %mul3A_374 = vector.broadcast %scan3A_75 : f32 to vector<16xf32>
      %mul3A_375 = arith.mulf %get3A_373, %mul3A_374 : vector<16xf32>
      %swap3A_376 = arith.constant 0 : i32
      %swap3A_377 = arith.index_cast %swap3A_376 : i32 to index
      %swap3A_378 = arith.index_cast %add3A_294 : i32 to index
      %swap3A_379 = arith.constant 80 : index
      %swap3A_380 = tpu.vector_load %arg7[%swap3A_377, %swap3A_378, %swap3A_379] {strides = array<i32>} : memref<2x128x128xf32, #tpu.memory_space<vmem>>, vector<1x1x16xf32>,
      %swap3A_381 = vector.shape_cast %swap3A_380 : vector<1x1x16xf32> to vector<16xf32>
      %swap3A_382 = vector.shape_cast %mul3A_375 : vector<16xf32> to vector<1x1x16xf32>
      tpu.vector_store %arg7[%swap3A_377, %swap3A_378, %swap3A_379], %swap3A_382 {strides = array<i32>} : memref<2x128x128xf32, #tpu.memory_space<vmem>>, vector<1x1x16xf32>,
      %get3A_383 = arith.constant 0 : i32
      %get3A_384 = arith.index_cast %get3A_383 : i32 to index
      %get3A_385 = arith.index_cast %add3A_294 : i32 to index
      %get3A_386 = arith.constant 96 : index
      %get3A_387 = tpu.vector_load %arg7[%get3A_384, %get3A_385, %get3A_386] {strides = array<i32>} : memref<2x128x128xf32, #tpu.memory_space<vmem>>, vector<1x1x16xf32>,
      %get3A_388 = vector.shape_cast %get3A_387 : vector<1x1x16xf32> to vector<16xf32>
      %mul3A_389 = vector.broadcast %scan3A_75 : f32 to vector<16xf32>
      %mul3A_390 = arith.mulf %get3A_388, %mul3A_389 : vector<16xf32>
      %swap3A_391 = arith.constant 0 : i32
      %swap3A_392 = arith.index_cast %swap3A_391 : i32 to index
      %swap3A_393 = arith.index_cast %add3A_294 : i32 to index
      %swap3A_394 = arith.constant 96 : index
      %swap3A_395 = tpu.vector_load %arg7[%swap3A_392, %swap3A_393, %swap3A_394] {strides = array<i32>} : memref<2x128x128xf32, #tpu.memory_space<vmem>>, vector<1x1x16xf32>,
      %swap3A_396 = vector.shape_cast %swap3A_395 : vector<1x1x16xf32> to vector<16xf32>
      %swap3A_397 = vector.shape_cast %mul3A_390 : vector<16xf32> to vector<1x1x16xf32>
      tpu.vector_store %arg7[%swap3A_392, %swap3A_393, %swap3A_394], %swap3A_397 {strides = array<i32>} : memref<2x128x128xf32, #tpu.memory_space<vmem>>, vector<1x1x16xf32>,
      %get3A_398 = arith.constant 0 : i32
      %get3A_399 = arith.index_cast %get3A_398 : i32 to index
      %get3A_400 = arith.index_cast %add3A_294 : i32 to index
      %get3A_401 = arith.constant 112 : index
      %get3A_402 = tpu.vector_load %arg7[%get3A_399, %get3A_400, %get3A_401] {strides = array<i32>} : memref<2x128x128xf32, #tpu.memory_space<vmem>>, vector<1x1x16xf32>,
      %get3A_403 = vector.shape_cast %get3A_402 : vector<1x1x16xf32> to vector<16xf32>
      %mul3A_404 = vector.broadcast %scan3A_75 : f32 to vector<16xf32>
      %mul3A_405 = arith.mulf %get3A_403, %mul3A_404 : vector<16xf32>
      %swap3A_406 = arith.constant 0 : i32
      %swap3A_407 = arith.index_cast %swap3A_406 : i32 to index
      %swap3A_408 = arith.index_cast %add3A_294 : i32 to index
      %swap3A_409 = arith.constant 112 : index
      %swap3A_410 = tpu.vector_load %arg7[%swap3A_407, %swap3A_408, %swap3A_409] {strides = array<i32>} : memref<2x128x128xf32, #tpu.memory_space<vmem>>, vector<1x1x16xf32>,
      %swap3A_411 = vector.shape_cast %swap3A_410 : vector<1x1x16xf32> to vector<16xf32>
      %swap3A_412 = vector.shape_cast %mul3A_405 : vector<16xf32> to vector<1x1x16xf32>
      tpu.vector_store %arg7[%swap3A_407, %swap3A_408, %swap3A_409], %swap3A_412 {strides = array<i32>} : memref<2x128x128xf32, #tpu.memory_space<vmem>>, vector<1x1x16xf32>,
    }
    %scan3A_80 = arith.constant 128 : i32
    %add3A_81 = arith.constant 0 : i32
    %add3A_82 = arith.addi %mul3A_2, %add3A_81 : i32
    %dma_start3A_83 = arith.constant 0 : i32
    %dma_start3A_84 = arith.constant 0 : i32
    %dma_start3A_85 = arith.constant 0 : i32
    %dma_start3A_86 = tpu.memref_slice %arg7[%dma_start3A_83, %dma_start3A_84, %dma_start3A_85] : memref<2x128x128xf32, #tpu.memory_space<vmem>> -> memref<1x128x128xf32, #tpu.memory_space<vmem>>
    %dma_start3A_87 = tpu.memref_squeeze %dma_start3A_86 : memref<1x128x128xf32, #tpu.memory_space<vmem>> -> memref<128x128xf32, #tpu.memory_space<vmem>>
    %dma_start3A_88 = arith.constant 0 : i32
    %dma_start3A_89 = tpu.memref_slice %arg4[%add3A_82, %dma_start3A_88] : memref<16384x128xf32, #tpu.memory_space<hbm>> -> memref<128x128xf32, #tpu.memory_space<hbm>>
    %dma_start3A_90 = arith.constant 0 : i32
    %dma_start3A_91 = tpu.memref_slice %arg4[%add3A_82, %dma_start3A_90] : memref<16384x128xf32, #tpu.memory_space<hbm>> -> memref<128x128xf32, #tpu.memory_space<hbm>>
    %dma_start3A_92 = arith.constant 0 : i32
    %dma_start3A_93 = arith.constant 0 : i32
    %dma_start3A_94 = tpu.memref_slice %arg7[%dma_start3A_83, %dma_start3A_92, %dma_start3A_93] : memref<2x128x128xf32, #tpu.memory_space<vmem>> -> memref<1x128x128xf32, #tpu.memory_space<vmem>>
    %dma_start3A_95 = tpu.memref_squeeze %dma_start3A_94 : memref<1x128x128xf32, #tpu.memory_space<vmem>> -> memref<128x128xf32, #tpu.memory_space<vmem>>
    tpu.enqueue_dma source(%dma_start3A_95 : memref<128x128xf32, #tpu.memory_space<vmem>>) target(%dma_start3A_91 : memref<128x128xf32, #tpu.memory_space<hbm>>) target_semaphore(%arg12 : memref<!tpu.dma_semaphore, #tpu.memory_space<semaphore_mem>>)
    %dma_wait3A_96 = arith.constant 0 : i32
    %dma_wait3A_97 = arith.constant 0 : i32
    %dma_wait3A_98 = arith.constant 0 : i32
    %dma_wait3A_99 = tpu.memref_slice %arg7[%dma_wait3A_96, %dma_wait3A_97, %dma_wait3A_98] : memref<2x128x128xf32, #tpu.memory_space<vmem>> -> memref<1x128x128xf32, #tpu.memory_space<vmem>>
    %dma_wait3A_100 = tpu.memref_squeeze %dma_wait3A_99 : memref<1x128x128xf32, #tpu.memory_space<vmem>> -> memref<128x128xf32, #tpu.memory_space<vmem>>
    %dma_wait3A_101 = arith.constant 0 : i32
    %dma_wait3A_102 = tpu.memref_slice %arg4[%mul3A_2, %dma_wait3A_101] : memref<16384x128xf32, #tpu.memory_space<hbm>> -> memref<128x128xf32, #tpu.memory_space<hbm>>
    %dma_wait3A_103 = arith.constant 0 : i32
    %dma_wait3A_104 = tpu.memref_slice %arg4[%mul3A_2, %dma_wait3A_103] : memref<16384x128xf32, #tpu.memory_space<hbm>> -> memref<128x128xf32, #tpu.memory_space<hbm>>
    %dma_wait3A_105 = arith.constant 0 : i32
    %dma_wait3A_106 = arith.constant 0 : i32
    %dma_wait3A_107 = tpu.memref_slice %arg7[%dma_wait3A_96, %dma_wait3A_105, %dma_wait3A_106] : memref<2x128x128xf32, #tpu.memory_space<vmem>> -> memref<1x128x128xf32, #tpu.memory_space<vmem>>
    %dma_wait3A_108 = tpu.memref_squeeze %dma_wait3A_107 : memref<1x128x128xf32, #tpu.memory_space<vmem>> -> memref<128x128xf32, #tpu.memory_space<vmem>>
    tpu.wait_dma2 semaphore(%arg12 : memref<!tpu.dma_semaphore, #tpu.memory_space<semaphore_mem>>) src(%dma_wait3A_108 : memref<128x128xf32, #tpu.memory_space<vmem>>) dst(%dma_wait3A_104 : memref<128x128xf32, #tpu.memory_space<hbm>>)
    %dma_start3A_109 = arith.constant 0 : i32
    %dma_start3A_110 = arith.constant 0 : i32
    %dma_start3A_111 = arith.constant 0 : i32
    %dma_start3A_112 = arith.constant 0 : i32
    %dma_start3A_113 = tpu.memref_slice %arg7[%dma_start3A_110, %dma_start3A_111, %dma_start3A_112] : memref<2x128x128xf32, #tpu.memory_space<vmem>> -> memref<1x128x128xf32, #tpu.memory_space<vmem>>
    %dma_start3A_114 = tpu.memref_squeeze %dma_start3A_113 : memref<1x128x128xf32, #tpu.memory_space<vmem>> -> memref<128x128xf32, #tpu.memory_space<vmem>>
    %dma_start3A_115 = arith.constant 256 : i32
    %dma_start3A_116 = tpu.memref_slice %arg6[%dma_start3A_109, %dma_start3A_115] : memref<10x512xi32, #tpu.memory_space<vmem>> -> memref<1x128xi32, #tpu.memory_space<vmem>>
    %dma_start3A_117 = tpu.memref_squeeze %dma_start3A_116 : memref<1x128xi32, #tpu.memory_space<vmem>> -> memref<128xi32, #tpu.memory_space<vmem>>
    %dma_start3A_118 = arith.constant 0 : i32
    %dma_start3A_119 = arith.constant 0 : i32
    %dma_start3A_120 = tpu.memref_slice %arg5[%dma_start3A_118, %dma_start3A_119] : memref<10000x128xf32, #tpu.memory_space<vmem_shared>> -> memref<10000x128xf32, #tpu.memory_space<vmem_shared>>
    tpu.enqueue_indirect_dma source(%dma_start3A_120 : memref<10000x128xf32, #tpu.memory_space<vmem_shared>>) target(%dma_start3A_114 : memref<128x128xf32, #tpu.memory_space<vmem>>) offsets(%dma_start3A_117 : memref<128xi32, #tpu.memory_space<vmem>>) semaphore(%arg8 : memref<!tpu.dma_semaphore, #tpu.memory_space<semaphore_mem>>)
    %dma_wait3A_121 = arith.constant 0 : i32
    %dma_wait3A_122 = arith.constant 0 : i32
    %dma_wait3A_123 = arith.constant 0 : i32
    %dma_wait3A_124 = tpu.memref_slice %arg7[%dma_wait3A_121, %dma_wait3A_122, %dma_wait3A_123] : memref<2x128x128xf32, #tpu.memory_space<vmem>> -> memref<1x128x128xf32, #tpu.memory_space<vmem>>
    %dma_wait3A_125 = tpu.memref_squeeze %dma_wait3A_124 : memref<1x128x128xf32, #tpu.memory_space<vmem>> -> memref<128x128xf32, #tpu.memory_space<vmem>>
    %dma_wait3A_126 = arith.constant 0 : i32
    %dma_wait3A_127 = arith.constant 0 : i32
    %dma_wait3A_128 = tpu.memref_slice %arg3[%dma_wait3A_126, %dma_wait3A_127] : memref<10000x128xf32, #tpu.memory_space<hbm>> -> memref<128x128xf32, #tpu.memory_space<hbm>>
    %dma_wait3A_129 = arith.constant 0 : i32
    %dma_wait3A_130 = arith.constant 0 : i32
    %dma_wait3A_131 = tpu.memref_slice %arg7[%dma_wait3A_121, %dma_wait3A_129, %dma_wait3A_130] : memref<2x128x128xf32, #tpu.memory_space<vmem>> -> memref<1x128x128xf32, #tpu.memory_space<vmem>>
    %dma_wait3A_132 = tpu.memref_squeeze %dma_wait3A_131 : memref<1x128x128xf32, #tpu.memory_space<vmem>> -> memref<128x128xf32, #tpu.memory_space<vmem>>
    %dma_wait3A_133 = arith.constant 0 : i32
    %dma_wait3A_134 = arith.constant 0 : i32
    %dma_wait3A_135 = tpu.memref_slice %arg3[%dma_wait3A_133, %dma_wait3A_134] : memref<10000x128xf32, #tpu.memory_space<hbm>> -> memref<128x128xf32, #tpu.memory_space<hbm>>
    tpu.wait_dma2 semaphore(%arg8 : memref<!tpu.dma_semaphore, #tpu.memory_space<semaphore_mem>>) src(%dma_wait3A_135 : memref<128x128xf32, #tpu.memory_space<hbm>>) dst(%dma_wait3A_132 : memref<128x128xf32, #tpu.memory_space<vmem>>)
    %scan3A_136 = arith.constant 0 : i32
    %scan3A_137 = arith.constant 9 : i32
    %scan3A_138 = arith.addi %scan3A_136, %scan3A_137 : i32
    %scan3A_139 = arith.constant 1 : i32
    scf.for %scan3A_290 = %scan3A_136 to %scan3A_138 step %scan3A_139  : i32 {
      %mul3A_291 = arith.constant 1 : i32
      %mul3A_292 = arith.muli %scan3A_290, %mul3A_291 : i32
      %add3A_293 = arith.constant 1 : i32
      %add3A_294 = arith.addi %add3A_293, %mul3A_292 : i32
      %dma_start3A_295 = arith.constant 0 : i32
      %dma_start3A_296 = arith.constant 0 : i32
      %dma_start3A_297 = arith.constant 0 : i32
      %dma_start3A_298 = tpu.memref_slice %arg7[%dma_start3A_295, %dma_start3A_296, %dma_start3A_297] : memref<2x128x128xf32, #tpu.memory_space<vmem>> -> memref<1x128x128xf32, #tpu.memory_space<vmem>>
      %dma_start3A_299 = tpu.memref_squeeze %dma_start3A_298 : memref<1x128x128xf32, #tpu.memory_space<vmem>> -> memref<128x128xf32, #tpu.memory_space<vmem>>
      %dma_start3A_300 = arith.constant 256 : i32
      %dma_start3A_301 = tpu.memref_slice %arg6[%add3A_294, %dma_start3A_300] : memref<10x512xi32, #tpu.memory_space<vmem>> -> memref<1x128xi32, #tpu.memory_space<vmem>>
      %dma_start3A_302 = tpu.memref_squeeze %dma_start3A_301 : memref<1x128xi32, #tpu.memory_space<vmem>> -> memref<128xi32, #tpu.memory_space<vmem>>
      %dma_start3A_303 = arith.constant 0 : i32
      %dma_start3A_304 = arith.constant 0 : i32
      %dma_start3A_305 = tpu.memref_slice %arg5[%dma_start3A_303, %dma_start3A_304] : memref<10000x128xf32, #tpu.memory_space<vmem_shared>> -> memref<10000x128xf32, #tpu.memory_space<vmem_shared>>
      tpu.enqueue_indirect_dma source(%dma_start3A_305 : memref<10000x128xf32, #tpu.memory_space<vmem_shared>>) target(%dma_start3A_299 : memref<128x128xf32, #tpu.memory_space<vmem>>) offsets(%dma_start3A_302 : memref<128xi32, #tpu.memory_space<vmem>>) semaphore(%arg10 : memref<!tpu.dma_semaphore, #tpu.memory_space<semaphore_mem>>) {add = true}
    }
    %scan3A_140 = arith.constant 9 : i32
    %scan3A_141 = arith.constant 0 : i32
    %scan3A_142 = arith.constant 9 : i32
    %scan3A_143 = arith.addi %scan3A_141, %scan3A_142 : i32
    %scan3A_144 = arith.constant 1 : i32
    scf.for %scan3A_290 = %scan3A_141 to %scan3A_143 step %scan3A_144  : i32 {
      %mul3A_291 = arith.constant 1 : i32
      %mul3A_292 = arith.muli %scan3A_290, %mul3A_291 : i32
      %add3A_293 = arith.constant 1 : i32
      %add3A_294 = arith.addi %add3A_293, %mul3A_292 : i32
      %dma_wait3A_295 = arith.constant 1 : i32
      %dma_wait3A_296 = arith.constant 0 : i32
      %dma_wait3A_297 = arith.constant 0 : i32
      %dma_wait3A_298 = tpu.memref_slice %arg7[%dma_wait3A_295, %dma_wait3A_296, %dma_wait3A_297] : memref<2x128x128xf32, #tpu.memory_space<vmem>> -> memref<1x128x128xf32, #tpu.memory_space<vmem>>
      %dma_wait3A_299 = tpu.memref_squeeze %dma_wait3A_298 : memref<1x128x128xf32, #tpu.memory_space<vmem>> -> memref<128x128xf32, #tpu.memory_space<vmem>>
      %dma_wait3A_300 = arith.constant 0 : i32
      %dma_wait3A_301 = arith.constant 0 : i32
      %dma_wait3A_302 = tpu.memref_slice %arg3[%dma_wait3A_300, %dma_wait3A_301] : memref<10000x128xf32, #tpu.memory_space<hbm>> -> memref<128x128xf32, #tpu.memory_space<hbm>>
      %dma_wait3A_303 = arith.constant 0 : i32
      %dma_wait3A_304 = arith.constant 0 : i32
      %dma_wait3A_305 = tpu.memref_slice %arg7[%dma_wait3A_295, %dma_wait3A_303, %dma_wait3A_304] : memref<2x128x128xf32, #tpu.memory_space<vmem>> -> memref<1x128x128xf32, #tpu.memory_space<vmem>>
      %dma_wait3A_306 = tpu.memref_squeeze %dma_wait3A_305 : memref<1x128x128xf32, #tpu.memory_space<vmem>> -> memref<128x128xf32, #tpu.memory_space<vmem>>
      %dma_wait3A_307 = arith.constant 0 : i32
      %dma_wait3A_308 = arith.constant 0 : i32
      %dma_wait3A_309 = tpu.memref_slice %arg3[%dma_wait3A_307, %dma_wait3A_308] : memref<10000x128xf32, #tpu.memory_space<hbm>> -> memref<128x128xf32, #tpu.memory_space<hbm>>
      tpu.wait_dma2 semaphore(%arg11 : memref<!tpu.dma_semaphore, #tpu.memory_space<semaphore_mem>>) src(%dma_wait3A_309 : memref<128x128xf32, #tpu.memory_space<hbm>>) dst(%dma_wait3A_306 : memref<128x128xf32, #tpu.memory_space<vmem>>)
    }
    %scan3A_145 = arith.constant 9 : i32
    %scan3A_146 = arith.constant 1.000000e-01 : f32
    %scan3A_147 = arith.constant 0 : i32
    %scan3A_148 = arith.constant 128 : i32
    %scan3A_149 = arith.addi %scan3A_147, %scan3A_148 : i32
    %scan3A_150 = arith.constant 1 : i32
    scf.for %scan3A_290 = %scan3A_147 to %scan3A_149 step %scan3A_150  : i32 {
      %mul3A_291 = arith.constant 1 : i32
      %mul3A_292 = arith.muli %scan3A_290, %mul3A_291 : i32
      %add3A_293 = arith.constant 0 : i32
      %add3A_294 = arith.addi %add3A_293, %mul3A_292 : i32
      %get3A = arith.constant 1 : i32
      %get3A_295 = arith.index_cast %get3A : i32 to index
      %get3A_296 = arith.index_cast %add3A_294 : i32 to index
      %get3A_297 = arith.constant 0 : index
      %get3A_298 = tpu.vector_load %arg7[%get3A_295, %get3A_296, %get3A_297] {strides = array<i32>} : memref<2x128x128xf32, #tpu.memory_space<vmem>>, vector<1x1x16xf32>,
      %get3A_299 = vector.shape_cast %get3A_298 : vector<1x1x16xf32> to vector<16xf32>
      %mul3A_300 = vector.broadcast %scan3A_146 : f32 to vector<16xf32>
      %mul3A_301 = arith.mulf %get3A_299, %mul3A_300 : vector<16xf32>
      %swap3A = arith.constant 1 : i32
      %swap3A_302 = arith.index_cast %swap3A : i32 to index
      %swap3A_303 = arith.index_cast %add3A_294 : i32 to index
      %swap3A_304 = arith.constant 0 : index
      %swap3A_305 = tpu.vector_load %arg7[%swap3A_302, %swap3A_303, %swap3A_304] {strides = array<i32>} : memref<2x128x128xf32, #tpu.memory_space<vmem>>, vector<1x1x16xf32>,
      %swap3A_306 = vector.shape_cast %swap3A_305 : vector<1x1x16xf32> to vector<16xf32>
      %swap3A_307 = vector.shape_cast %mul3A_301 : vector<16xf32> to vector<1x1x16xf32>
      tpu.vector_store %arg7[%swap3A_302, %swap3A_303, %swap3A_304], %swap3A_307 {strides = array<i32>} : memref<2x128x128xf32, #tpu.memory_space<vmem>>, vector<1x1x16xf32>,
      %get3A_308 = arith.constant 1 : i32
      %get3A_309 = arith.index_cast %get3A_308 : i32 to index
      %get3A_310 = arith.index_cast %add3A_294 : i32 to index
      %get3A_311 = arith.constant 16 : index
      %get3A_312 = tpu.vector_load %arg7[%get3A_309, %get3A_310, %get3A_311] {strides = array<i32>} : memref<2x128x128xf32, #tpu.memory_space<vmem>>, vector<1x1x16xf32>,
      %get3A_313 = vector.shape_cast %get3A_312 : vector<1x1x16xf32> to vector<16xf32>
      %mul3A_314 = vector.broadcast %scan3A_146 : f32 to vector<16xf32>
      %mul3A_315 = arith.mulf %get3A_313, %mul3A_314 : vector<16xf32>
      %swap3A_316 = arith.constant 1 : i32
      %swap3A_317 = arith.index_cast %swap3A_316 : i32 to index
      %swap3A_318 = arith.index_cast %add3A_294 : i32 to index
      %swap3A_319 = arith.constant 16 : index
      %swap3A_320 = tpu.vector_load %arg7[%swap3A_317, %swap3A_318, %swap3A_319] {strides = array<i32>} : memref<2x128x128xf32, #tpu.memory_space<vmem>>, vector<1x1x16xf32>,
      %swap3A_321 = vector.shape_cast %swap3A_320 : vector<1x1x16xf32> to vector<16xf32>
      %swap3A_322 = vector.shape_cast %mul3A_315 : vector<16xf32> to vector<1x1x16xf32>
      tpu.vector_store %arg7[%swap3A_317, %swap3A_318, %swap3A_319], %swap3A_322 {strides = array<i32>} : memref<2x128x128xf32, #tpu.memory_space<vmem>>, vector<1x1x16xf32>,
      %get3A_323 = arith.constant 1 : i32
      %get3A_324 = arith.index_cast %get3A_323 : i32 to index
      %get3A_325 = arith.index_cast %add3A_294 : i32 to index
      %get3A_326 = arith.constant 32 : index
      %get3A_327 = tpu.vector_load %arg7[%get3A_324, %get3A_325, %get3A_326] {strides = array<i32>} : memref<2x128x128xf32, #tpu.memory_space<vmem>>, vector<1x1x16xf32>,
      %get3A_328 = vector.shape_cast %get3A_327 : vector<1x1x16xf32> to vector<16xf32>
      %mul3A_329 = vector.broadcast %scan3A_146 : f32 to vector<16xf32>
      %mul3A_330 = arith.mulf %get3A_328, %mul3A_329 : vector<16xf32>
      %swap3A_331 = arith.constant 1 : i32
      %swap3A_332 = arith.index_cast %swap3A_331 : i32 to index
      %swap3A_333 = arith.index_cast %add3A_294 : i32 to index
      %swap3A_334 = arith.constant 32 : index
      %swap3A_335 = tpu.vector_load %arg7[%swap3A_332, %swap3A_333, %swap3A_334] {strides = array<i32>} : memref<2x128x128xf32, #tpu.memory_space<vmem>>, vector<1x1x16xf32>,
      %swap3A_336 = vector.shape_cast %swap3A_335 : vector<1x1x16xf32> to vector<16xf32>
      %swap3A_337 = vector.shape_cast %mul3A_330 : vector<16xf32> to vector<1x1x16xf32>
      tpu.vector_store %arg7[%swap3A_332, %swap3A_333, %swap3A_334], %swap3A_337 {strides = array<i32>} : memref<2x128x128xf32, #tpu.memory_space<vmem>>, vector<1x1x16xf32>,
      %get3A_338 = arith.constant 1 : i32
      %get3A_339 = arith.index_cast %get3A_338 : i32 to index
      %get3A_340 = arith.index_cast %add3A_294 : i32 to index
      %get3A_341 = arith.constant 48 : index
      %get3A_342 = tpu.vector_load %arg7[%get3A_339, %get3A_340, %get3A_341] {strides = array<i32>} : memref<2x128x128xf32, #tpu.memory_space<vmem>>, vector<1x1x16xf32>,
      %get3A_343 = vector.shape_cast %get3A_342 : vector<1x1x16xf32> to vector<16xf32>
      %mul3A_344 = vector.broadcast %scan3A_146 : f32 to vector<16xf32>
      %mul3A_345 = arith.mulf %get3A_343, %mul3A_344 : vector<16xf32>
      %swap3A_346 = arith.constant 1 : i32
      %swap3A_347 = arith.index_cast %swap3A_346 : i32 to index
      %swap3A_348 = arith.index_cast %add3A_294 : i32 to index
      %swap3A_349 = arith.constant 48 : index
      %swap3A_350 = tpu.vector_load %arg7[%swap3A_347, %swap3A_348, %swap3A_349] {strides = array<i32>} : memref<2x128x128xf32, #tpu.memory_space<vmem>>, vector<1x1x16xf32>,
      %swap3A_351 = vector.shape_cast %swap3A_350 : vector<1x1x16xf32> to vector<16xf32>
      %swap3A_352 = vector.shape_cast %mul3A_345 : vector<16xf32> to vector<1x1x16xf32>
      tpu.vector_store %arg7[%swap3A_347, %swap3A_348, %swap3A_349], %swap3A_352 {strides = array<i32>} : memref<2x128x128xf32, #tpu.memory_space<vmem>>, vector<1x1x16xf32>,
      %get3A_353 = arith.constant 1 : i32
      %get3A_354 = arith.index_cast %get3A_353 : i32 to index
      %get3A_355 = arith.index_cast %add3A_294 : i32 to index
      %get3A_356 = arith.constant 64 : index
      %get3A_357 = tpu.vector_load %arg7[%get3A_354, %get3A_355, %get3A_356] {strides = array<i32>} : memref<2x128x128xf32, #tpu.memory_space<vmem>>, vector<1x1x16xf32>,
      %get3A_358 = vector.shape_cast %get3A_357 : vector<1x1x16xf32> to vector<16xf32>
      %mul3A_359 = vector.broadcast %scan3A_146 : f32 to vector<16xf32>
      %mul3A_360 = arith.mulf %get3A_358, %mul3A_359 : vector<16xf32>
      %swap3A_361 = arith.constant 1 : i32
      %swap3A_362 = arith.index_cast %swap3A_361 : i32 to index
      %swap3A_363 = arith.index_cast %add3A_294 : i32 to index
      %swap3A_364 = arith.constant 64 : index
      %swap3A_365 = tpu.vector_load %arg7[%swap3A_362, %swap3A_363, %swap3A_364] {strides = array<i32>} : memref<2x128x128xf32, #tpu.memory_space<vmem>>, vector<1x1x16xf32>,
      %swap3A_366 = vector.shape_cast %swap3A_365 : vector<1x1x16xf32> to vector<16xf32>
      %swap3A_367 = vector.shape_cast %mul3A_360 : vector<16xf32> to vector<1x1x16xf32>
      tpu.vector_store %arg7[%swap3A_362, %swap3A_363, %swap3A_364], %swap3A_367 {strides = array<i32>} : memref<2x128x128xf32, #tpu.memory_space<vmem>>, vector<1x1x16xf32>,
      %get3A_368 = arith.constant 1 : i32
      %get3A_369 = arith.index_cast %get3A_368 : i32 to index
      %get3A_370 = arith.index_cast %add3A_294 : i32 to index
      %get3A_371 = arith.constant 80 : index
      %get3A_372 = tpu.vector_load %arg7[%get3A_369, %get3A_370, %get3A_371] {strides = array<i32>} : memref<2x128x128xf32, #tpu.memory_space<vmem>>, vector<1x1x16xf32>,
      %get3A_373 = vector.shape_cast %get3A_372 : vector<1x1x16xf32> to vector<16xf32>
      %mul3A_374 = vector.broadcast %scan3A_146 : f32 to vector<16xf32>
      %mul3A_375 = arith.mulf %get3A_373, %mul3A_374 : vector<16xf32>
      %swap3A_376 = arith.constant 1 : i32
      %swap3A_377 = arith.index_cast %swap3A_376 : i32 to index
      %swap3A_378 = arith.index_cast %add3A_294 : i32 to index
      %swap3A_379 = arith.constant 80 : index
      %swap3A_380 = tpu.vector_load %arg7[%swap3A_377, %swap3A_378, %swap3A_379] {strides = array<i32>} : memref<2x128x128xf32, #tpu.memory_space<vmem>>, vector<1x1x16xf32>,
      %swap3A_381 = vector.shape_cast %swap3A_380 : vector<1x1x16xf32> to vector<16xf32>
      %swap3A_382 = vector.shape_cast %mul3A_375 : vector<16xf32> to vector<1x1x16xf32>
      tpu.vector_store %arg7[%swap3A_377, %swap3A_378, %swap3A_379], %swap3A_382 {strides = array<i32>} : memref<2x128x128xf32, #tpu.memory_space<vmem>>, vector<1x1x16xf32>,
      %get3A_383 = arith.constant 1 : i32
      %get3A_384 = arith.index_cast %get3A_383 : i32 to index
      %get3A_385 = arith.index_cast %add3A_294 : i32 to index
      %get3A_386 = arith.constant 96 : index
      %get3A_387 = tpu.vector_load %arg7[%get3A_384, %get3A_385, %get3A_386] {strides = array<i32>} : memref<2x128x128xf32, #tpu.memory_space<vmem>>, vector<1x1x16xf32>,
      %get3A_388 = vector.shape_cast %get3A_387 : vector<1x1x16xf32> to vector<16xf32>
      %mul3A_389 = vector.broadcast %scan3A_146 : f32 to vector<16xf32>
      %mul3A_390 = arith.mulf %get3A_388, %mul3A_389 : vector<16xf32>
      %swap3A_391 = arith.constant 1 : i32
      %swap3A_392 = arith.index_cast %swap3A_391 : i32 to index
      %swap3A_393 = arith.index_cast %add3A_294 : i32 to index
      %swap3A_394 = arith.constant 96 : index
      %swap3A_395 = tpu.vector_load %arg7[%swap3A_392, %swap3A_393, %swap3A_394] {strides = array<i32>} : memref<2x128x128xf32, #tpu.memory_space<vmem>>, vector<1x1x16xf32>,
      %swap3A_396 = vector.shape_cast %swap3A_395 : vector<1x1x16xf32> to vector<16xf32>
      %swap3A_397 = vector.shape_cast %mul3A_390 : vector<16xf32> to vector<1x1x16xf32>
      tpu.vector_store %arg7[%swap3A_392, %swap3A_393, %swap3A_394], %swap3A_397 {strides = array<i32>} : memref<2x128x128xf32, #tpu.memory_space<vmem>>, vector<1x1x16xf32>,
      %get3A_398 = arith.constant 1 : i32
      %get3A_399 = arith.index_cast %get3A_398 : i32 to index
      %get3A_400 = arith.index_cast %add3A_294 : i32 to index
      %get3A_401 = arith.constant 112 : index
      %get3A_402 = tpu.vector_load %arg7[%get3A_399, %get3A_400, %get3A_401] {strides = array<i32>} : memref<2x128x128xf32, #tpu.memory_space<vmem>>, vector<1x1x16xf32>,
      %get3A_403 = vector.shape_cast %get3A_402 : vector<1x1x16xf32> to vector<16xf32>
      %mul3A_404 = vector.broadcast %scan3A_146 : f32 to vector<16xf32>
      %mul3A_405 = arith.mulf %get3A_403, %mul3A_404 : vector<16xf32>
      %swap3A_406 = arith.constant 1 : i32
      %swap3A_407 = arith.index_cast %swap3A_406 : i32 to index
      %swap3A_408 = arith.index_cast %add3A_294 : i32 to index
      %swap3A_409 = arith.constant 112 : index
      %swap3A_410 = tpu.vector_load %arg7[%swap3A_407, %swap3A_408, %swap3A_409] {strides = array<i32>} : memref<2x128x128xf32, #tpu.memory_space<vmem>>, vector<1x1x16xf32>,
      %swap3A_411 = vector.shape_cast %swap3A_410 : vector<1x1x16xf32> to vector<16xf32>
      %swap3A_412 = vector.shape_cast %mul3A_405 : vector<16xf32> to vector<1x1x16xf32>
      tpu.vector_store %arg7[%swap3A_407, %swap3A_408, %swap3A_409], %swap3A_412 {strides = array<i32>} : memref<2x128x128xf32, #tpu.memory_space<vmem>>, vector<1x1x16xf32>,
    }
    %scan3A_151 = arith.constant 128 : i32
    %add3A_152 = arith.constant 128 : i32
    %add3A_153 = arith.addi %mul3A_2, %add3A_152 : i32
    %dma_start3A_154 = arith.constant 1 : i32
    %dma_start3A_155 = arith.constant 0 : i32
    %dma_start3A_156 = arith.constant 0 : i32
    %dma_start3A_157 = tpu.memref_slice %arg7[%dma_start3A_154, %dma_start3A_155, %dma_start3A_156] : memref<2x128x128xf32, #tpu.memory_space<vmem>> -> memref<1x128x128xf32, #tpu.memory_space<vmem>>
    %dma_start3A_158 = tpu.memref_squeeze %dma_start3A_157 : memref<1x128x128xf32, #tpu.memory_space<vmem>> -> memref<128x128xf32, #tpu.memory_space<vmem>>
    %dma_start3A_159 = arith.constant 0 : i32
    %dma_start3A_160 = tpu.memref_slice %arg4[%add3A_153, %dma_start3A_159] : memref<16384x128xf32, #tpu.memory_space<hbm>> -> memref<128x128xf32, #tpu.memory_space<hbm>>
    %dma_start3A_161 = arith.constant 0 : i32
    %dma_start3A_162 = tpu.memref_slice %arg4[%add3A_153, %dma_start3A_161] : memref<16384x128xf32, #tpu.memory_space<hbm>> -> memref<128x128xf32, #tpu.memory_space<hbm>>
    %dma_start3A_163 = arith.constant 0 : i32
    %dma_start3A_164 = arith.constant 0 : i32
    %dma_start3A_165 = tpu.memref_slice %arg7[%dma_start3A_154, %dma_start3A_163, %dma_start3A_164] : memref<2x128x128xf32, #tpu.memory_space<vmem>> -> memref<1x128x128xf32, #tpu.memory_space<vmem>>
    %dma_start3A_166 = tpu.memref_squeeze %dma_start3A_165 : memref<1x128x128xf32, #tpu.memory_space<vmem>> -> memref<128x128xf32, #tpu.memory_space<vmem>>
    tpu.enqueue_dma source(%dma_start3A_166 : memref<128x128xf32, #tpu.memory_space<vmem>>) target(%dma_start3A_162 : memref<128x128xf32, #tpu.memory_space<hbm>>) target_semaphore(%arg13 : memref<!tpu.dma_semaphore, #tpu.memory_space<semaphore_mem>>)
    %dma_wait3A_167 = arith.constant 1 : i32
    %dma_wait3A_168 = arith.constant 0 : i32
    %dma_wait3A_169 = arith.constant 0 : i32
    %dma_wait3A_170 = tpu.memref_slice %arg7[%dma_wait3A_167, %dma_wait3A_168, %dma_wait3A_169] : memref<2x128x128xf32, #tpu.memory_space<vmem>> -> memref<1x128x128xf32, #tpu.memory_space<vmem>>
    %dma_wait3A_171 = tpu.memref_squeeze %dma_wait3A_170 : memref<1x128x128xf32, #tpu.memory_space<vmem>> -> memref<128x128xf32, #tpu.memory_space<vmem>>
    %dma_wait3A_172 = arith.constant 0 : i32
    %dma_wait3A_173 = tpu.memref_slice %arg4[%mul3A_2, %dma_wait3A_172] : memref<16384x128xf32, #tpu.memory_space<hbm>> -> memref<128x128xf32, #tpu.memory_space<hbm>>
    %dma_wait3A_174 = arith.constant 0 : i32
    %dma_wait3A_175 = tpu.memref_slice %arg4[%mul3A_2, %dma_wait3A_174] : memref<16384x128xf32, #tpu.memory_space<hbm>> -> memref<128x128xf32, #tpu.memory_space<hbm>>
    %dma_wait3A_176 = arith.constant 0 : i32
    %dma_wait3A_177 = arith.constant 0 : i32
    %dma_wait3A_178 = tpu.memref_slice %arg7[%dma_wait3A_167, %dma_wait3A_176, %dma_wait3A_177] : memref<2x128x128xf32, #tpu.memory_space<vmem>> -> memref<1x128x128xf32, #tpu.memory_space<vmem>>
    %dma_wait3A_179 = tpu.memref_squeeze %dma_wait3A_178 : memref<1x128x128xf32, #tpu.memory_space<vmem>> -> memref<128x128xf32, #tpu.memory_space<vmem>>
    tpu.wait_dma2 semaphore(%arg13 : memref<!tpu.dma_semaphore, #tpu.memory_space<semaphore_mem>>) src(%dma_wait3A_179 : memref<128x128xf32, #tpu.memory_space<vmem>>) dst(%dma_wait3A_175 : memref<128x128xf32, #tpu.memory_space<hbm>>)
    %dma_start3A_180 = arith.constant 0 : i32
    %dma_start3A_181 = arith.constant 1 : i32
    %dma_start3A_182 = arith.constant 0 : i32
    %dma_start3A_183 = arith.constant 0 : i32
    %dma_start3A_184 = tpu.memref_slice %arg7[%dma_start3A_181, %dma_start3A_182, %dma_start3A_183] : memref<2x128x128xf32, #tpu.memory_space<vmem>> -> memref<1x128x128xf32, #tpu.memory_space<vmem>>
    %dma_start3A_185 = tpu.memref_squeeze %dma_start3A_184 : memref<1x128x128xf32, #tpu.memory_space<vmem>> -> memref<128x128xf32, #tpu.memory_space<vmem>>
    %dma_start3A_186 = arith.constant 384 : i32
    %dma_start3A_187 = tpu.memref_slice %arg6[%dma_start3A_180, %dma_start3A_186] : memref<10x512xi32, #tpu.memory_space<vmem>> -> memref<1x128xi32, #tpu.memory_space<vmem>>
    %dma_start3A_188 = tpu.memref_squeeze %dma_start3A_187 : memref<1x128xi32, #tpu.memory_space<vmem>> -> memref<128xi32, #tpu.memory_space<vmem>>
    %dma_start3A_189 = arith.constant 0 : i32
    %dma_start3A_190 = arith.constant 0 : i32
    %dma_start3A_191 = tpu.memref_slice %arg5[%dma_start3A_189, %dma_start3A_190] : memref<10000x128xf32, #tpu.memory_space<vmem_shared>> -> memref<10000x128xf32, #tpu.memory_space<vmem_shared>>
    tpu.enqueue_indirect_dma source(%dma_start3A_191 : memref<10000x128xf32, #tpu.memory_space<vmem_shared>>) target(%dma_start3A_185 : memref<128x128xf32, #tpu.memory_space<vmem>>) offsets(%dma_start3A_188 : memref<128xi32, #tpu.memory_space<vmem>>) semaphore(%arg9 : memref<!tpu.dma_semaphore, #tpu.memory_space<semaphore_mem>>)
    %dma_wait3A_192 = arith.constant 1 : i32
    %dma_wait3A_193 = arith.constant 0 : i32
    %dma_wait3A_194 = arith.constant 0 : i32
    %dma_wait3A_195 = tpu.memref_slice %arg7[%dma_wait3A_192, %dma_wait3A_193, %dma_wait3A_194] : memref<2x128x128xf32, #tpu.memory_space<vmem>> -> memref<1x128x128xf32, #tpu.memory_space<vmem>>
    %dma_wait3A_196 = tpu.memref_squeeze %dma_wait3A_195 : memref<1x128x128xf32, #tpu.memory_space<vmem>> -> memref<128x128xf32, #tpu.memory_space<vmem>>
    %dma_wait3A_197 = arith.constant 0 : i32
    %dma_wait3A_198 = arith.constant 0 : i32
    %dma_wait3A_199 = tpu.memref_slice %arg3[%dma_wait3A_197, %dma_wait3A_198] : memref<10000x128xf32, #tpu.memory_space<hbm>> -> memref<128x128xf32, #tpu.memory_space<hbm>>
    %dma_wait3A_200 = arith.constant 0 : i32
    %dma_wait3A_201 = arith.constant 0 : i32
    %dma_wait3A_202 = tpu.memref_slice %arg7[%dma_wait3A_192, %dma_wait3A_200, %dma_wait3A_201] : memref<2x128x128xf32, #tpu.memory_space<vmem>> -> memref<1x128x128xf32, #tpu.memory_space<vmem>>
    %dma_wait3A_203 = tpu.memref_squeeze %dma_wait3A_202 : memref<1x128x128xf32, #tpu.memory_space<vmem>> -> memref<128x128xf32, #tpu.memory_space<vmem>>
    %dma_wait3A_204 = arith.constant 0 : i32
    %dma_wait3A_205 = arith.constant 0 : i32
    %dma_wait3A_206 = tpu.memref_slice %arg3[%dma_wait3A_204, %dma_wait3A_205] : memref<10000x128xf32, #tpu.memory_space<hbm>> -> memref<128x128xf32, #tpu.memory_space<hbm>>
    tpu.wait_dma2 semaphore(%arg9 : memref<!tpu.dma_semaphore, #tpu.memory_space<semaphore_mem>>) src(%dma_wait3A_206 : memref<128x128xf32, #tpu.memory_space<hbm>>) dst(%dma_wait3A_203 : memref<128x128xf32, #tpu.memory_space<vmem>>)
    %scan3A_207 = arith.constant 0 : i32
    %scan3A_208 = arith.constant 9 : i32
    %scan3A_209 = arith.addi %scan3A_207, %scan3A_208 : i32
    %scan3A_210 = arith.constant 1 : i32
    scf.for %scan3A_290 = %scan3A_207 to %scan3A_209 step %scan3A_210  : i32 {
      %mul3A_291 = arith.constant 1 : i32
      %mul3A_292 = arith.muli %scan3A_290, %mul3A_291 : i32
      %add3A_293 = arith.constant 1 : i32
      %add3A_294 = arith.addi %add3A_293, %mul3A_292 : i32
      %dma_start3A_295 = arith.constant 1 : i32
      %dma_start3A_296 = arith.constant 0 : i32
      %dma_start3A_297 = arith.constant 0 : i32
      %dma_start3A_298 = tpu.memref_slice %arg7[%dma_start3A_295, %dma_start3A_296, %dma_start3A_297] : memref<2x128x128xf32, #tpu.memory_space<vmem>> -> memref<1x128x128xf32, #tpu.memory_space<vmem>>
      %dma_start3A_299 = tpu.memref_squeeze %dma_start3A_298 : memref<1x128x128xf32, #tpu.memory_space<vmem>> -> memref<128x128xf32, #tpu.memory_space<vmem>>
      %dma_start3A_300 = arith.constant 384 : i32
      %dma_start3A_301 = tpu.memref_slice %arg6[%add3A_294, %dma_start3A_300] : memref<10x512xi32, #tpu.memory_space<vmem>> -> memref<1x128xi32, #tpu.memory_space<vmem>>
      %dma_start3A_302 = tpu.memref_squeeze %dma_start3A_301 : memref<1x128xi32, #tpu.memory_space<vmem>> -> memref<128xi32, #tpu.memory_space<vmem>>
      %dma_start3A_303 = arith.constant 0 : i32
      %dma_start3A_304 = arith.constant 0 : i32
      %dma_start3A_305 = tpu.memref_slice %arg5[%dma_start3A_303, %dma_start3A_304] : memref<10000x128xf32, #tpu.memory_space<vmem_shared>> -> memref<10000x128xf32, #tpu.memory_space<vmem_shared>>
      tpu.enqueue_indirect_dma source(%dma_start3A_305 : memref<10000x128xf32, #tpu.memory_space<vmem_shared>>) target(%dma_start3A_299 : memref<128x128xf32, #tpu.memory_space<vmem>>) offsets(%dma_start3A_302 : memref<128xi32, #tpu.memory_space<vmem>>) semaphore(%arg11 : memref<!tpu.dma_semaphore, #tpu.memory_space<semaphore_mem>>) {add = true}
    }
    %scan3A_211 = arith.constant 9 : i32
    %scan3A_212 = arith.constant 0 : i32
    %scan3A_213 = arith.constant 9 : i32
    %scan3A_214 = arith.addi %scan3A_212, %scan3A_213 : i32
    %scan3A_215 = arith.constant 1 : i32
    scf.for %scan3A_290 = %scan3A_212 to %scan3A_214 step %scan3A_215  : i32 {
      %mul3A_291 = arith.constant 1 : i32
      %mul3A_292 = arith.muli %scan3A_290, %mul3A_291 : i32
      %add3A_293 = arith.constant 1 : i32
      %add3A_294 = arith.addi %add3A_293, %mul3A_292 : i32
      %dma_wait3A_295 = arith.constant 0 : i32
      %dma_wait3A_296 = arith.constant 0 : i32
      %dma_wait3A_297 = arith.constant 0 : i32
      %dma_wait3A_298 = tpu.memref_slice %arg7[%dma_wait3A_295, %dma_wait3A_296, %dma_wait3A_297] : memref<2x128x128xf32, #tpu.memory_space<vmem>> -> memref<1x128x128xf32, #tpu.memory_space<vmem>>
      %dma_wait3A_299 = tpu.memref_squeeze %dma_wait3A_298 : memref<1x128x128xf32, #tpu.memory_space<vmem>> -> memref<128x128xf32, #tpu.memory_space<vmem>>
      %dma_wait3A_300 = arith.constant 0 : i32
      %dma_wait3A_301 = arith.constant 0 : i32
      %dma_wait3A_302 = tpu.memref_slice %arg3[%dma_wait3A_300, %dma_wait3A_301] : memref<10000x128xf32, #tpu.memory_space<hbm>> -> memref<128x128xf32, #tpu.memory_space<hbm>>
      %dma_wait3A_303 = arith.constant 0 : i32
      %dma_wait3A_304 = arith.constant 0 : i32
      %dma_wait3A_305 = tpu.memref_slice %arg7[%dma_wait3A_295, %dma_wait3A_303, %dma_wait3A_304] : memref<2x128x128xf32, #tpu.memory_space<vmem>> -> memref<1x128x128xf32, #tpu.memory_space<vmem>>
      %dma_wait3A_306 = tpu.memref_squeeze %dma_wait3A_305 : memref<1x128x128xf32, #tpu.memory_space<vmem>> -> memref<128x128xf32, #tpu.memory_space<vmem>>
      %dma_wait3A_307 = arith.constant 0 : i32
      %dma_wait3A_308 = arith.constant 0 : i32
      %dma_wait3A_309 = tpu.memref_slice %arg3[%dma_wait3A_307, %dma_wait3A_308] : memref<10000x128xf32, #tpu.memory_space<hbm>> -> memref<128x128xf32, #tpu.memory_space<hbm>>
      tpu.wait_dma2 semaphore(%arg10 : memref<!tpu.dma_semaphore, #tpu.memory_space<semaphore_mem>>) src(%dma_wait3A_309 : memref<128x128xf32, #tpu.memory_space<hbm>>) dst(%dma_wait3A_306 : memref<128x128xf32, #tpu.memory_space<vmem>>)
    }
    %scan3A_216 = arith.constant 9 : i32
    %scan3A_217 = arith.constant 1.000000e-01 : f32
    %scan3A_218 = arith.constant 0 : i32
    %scan3A_219 = arith.constant 128 : i32
    %scan3A_220 = arith.addi %scan3A_218, %scan3A_219 : i32
    %scan3A_221 = arith.constant 1 : i32
    scf.for %scan3A_290 = %scan3A_218 to %scan3A_220 step %scan3A_221  : i32 {
      %mul3A_291 = arith.constant 1 : i32
      %mul3A_292 = arith.muli %scan3A_290, %mul3A_291 : i32
      %add3A_293 = arith.constant 0 : i32
      %add3A_294 = arith.addi %add3A_293, %mul3A_292 : i32
      %get3A = arith.constant 0 : i32
      %get3A_295 = arith.index_cast %get3A : i32 to index
      %get3A_296 = arith.index_cast %add3A_294 : i32 to index
      %get3A_297 = arith.constant 0 : index
      %get3A_298 = tpu.vector_load %arg7[%get3A_295, %get3A_296, %get3A_297] {strides = array<i32>} : memref<2x128x128xf32, #tpu.memory_space<vmem>>, vector<1x1x16xf32>,
      %get3A_299 = vector.shape_cast %get3A_298 : vector<1x1x16xf32> to vector<16xf32>
      %mul3A_300 = vector.broadcast %scan3A_217 : f32 to vector<16xf32>
      %mul3A_301 = arith.mulf %get3A_299, %mul3A_300 : vector<16xf32>
      %swap3A = arith.constant 0 : i32
      %swap3A_302 = arith.index_cast %swap3A : i32 to index
      %swap3A_303 = arith.index_cast %add3A_294 : i32 to index
      %swap3A_304 = arith.constant 0 : index
      %swap3A_305 = tpu.vector_load %arg7[%swap3A_302, %swap3A_303, %swap3A_304] {strides = array<i32>} : memref<2x128x128xf32, #tpu.memory_space<vmem>>, vector<1x1x16xf32>,
      %swap3A_306 = vector.shape_cast %swap3A_305 : vector<1x1x16xf32> to vector<16xf32>
      %swap3A_307 = vector.shape_cast %mul3A_301 : vector<16xf32> to vector<1x1x16xf32>
      tpu.vector_store %arg7[%swap3A_302, %swap3A_303, %swap3A_304], %swap3A_307 {strides = array<i32>} : memref<2x128x128xf32, #tpu.memory_space<vmem>>, vector<1x1x16xf32>,
      %get3A_308 = arith.constant 0 : i32
      %get3A_309 = arith.index_cast %get3A_308 : i32 to index
      %get3A_310 = arith.index_cast %add3A_294 : i32 to index
      %get3A_311 = arith.constant 16 : index
      %get3A_312 = tpu.vector_load %arg7[%get3A_309, %get3A_310, %get3A_311] {strides = array<i32>} : memref<2x128x128xf32, #tpu.memory_space<vmem>>, vector<1x1x16xf32>,
      %get3A_313 = vector.shape_cast %get3A_312 : vector<1x1x16xf32> to vector<16xf32>
      %mul3A_314 = vector.broadcast %scan3A_217 : f32 to vector<16xf32>
      %mul3A_315 = arith.mulf %get3A_313, %mul3A_314 : vector<16xf32>
      %swap3A_316 = arith.constant 0 : i32
      %swap3A_317 = arith.index_cast %swap3A_316 : i32 to index
      %swap3A_318 = arith.index_cast %add3A_294 : i32 to index
      %swap3A_319 = arith.constant 16 : index
      %swap3A_320 = tpu.vector_load %arg7[%swap3A_317, %swap3A_318, %swap3A_319] {strides = array<i32>} : memref<2x128x128xf32, #tpu.memory_space<vmem>>, vector<1x1x16xf32>,
      %swap3A_321 = vector.shape_cast %swap3A_320 : vector<1x1x16xf32> to vector<16xf32>
      %swap3A_322 = vector.shape_cast %mul3A_315 : vector<16xf32> to vector<1x1x16xf32>
      tpu.vector_store %arg7[%swap3A_317, %swap3A_318, %swap3A_319], %swap3A_322 {strides = array<i32>} : memref<2x128x128xf32, #tpu.memory_space<vmem>>, vector<1x1x16xf32>,
      %get3A_323 = arith.constant 0 : i32
      %get3A_324 = arith.index_cast %get3A_323 : i32 to index
      %get3A_325 = arith.index_cast %add3A_294 : i32 to index
      %get3A_326 = arith.constant 32 : index
      %get3A_327 = tpu.vector_load %arg7[%get3A_324, %get3A_325, %get3A_326] {strides = array<i32>} : memref<2x128x128xf32, #tpu.memory_space<vmem>>, vector<1x1x16xf32>,
      %get3A_328 = vector.shape_cast %get3A_327 : vector<1x1x16xf32> to vector<16xf32>
      %mul3A_329 = vector.broadcast %scan3A_217 : f32 to vector<16xf32>
      %mul3A_330 = arith.mulf %get3A_328, %mul3A_329 : vector<16xf32>
      %swap3A_331 = arith.constant 0 : i32
      %swap3A_332 = arith.index_cast %swap3A_331 : i32 to index
      %swap3A_333 = arith.index_cast %add3A_294 : i32 to index
      %swap3A_334 = arith.constant 32 : index
      %swap3A_335 = tpu.vector_load %arg7[%swap3A_332, %swap3A_333, %swap3A_334] {strides = array<i32>} : memref<2x128x128xf32, #tpu.memory_space<vmem>>, vector<1x1x16xf32>,
      %swap3A_336 = vector.shape_cast %swap3A_335 : vector<1x1x16xf32> to vector<16xf32>
      %swap3A_337 = vector.shape_cast %mul3A_330 : vector<16xf32> to vector<1x1x16xf32>
      tpu.vector_store %arg7[%swap3A_332, %swap3A_333, %swap3A_334], %swap3A_337 {strides = array<i32>} : memref<2x128x128xf32, #tpu.memory_space<vmem>>, vector<1x1x16xf32>,
      %get3A_338 = arith.constant 0 : i32
      %get3A_339 = arith.index_cast %get3A_338 : i32 to index
      %get3A_340 = arith.index_cast %add3A_294 : i32 to index
      %get3A_341 = arith.constant 48 : index
      %get3A_342 = tpu.vector_load %arg7[%get3A_339, %get3A_340, %get3A_341] {strides = array<i32>} : memref<2x128x128xf32, #tpu.memory_space<vmem>>, vector<1x1x16xf32>,
      %get3A_343 = vector.shape_cast %get3A_342 : vector<1x1x16xf32> to vector<16xf32>
      %mul3A_344 = vector.broadcast %scan3A_217 : f32 to vector<16xf32>
      %mul3A_345 = arith.mulf %get3A_343, %mul3A_344 : vector<16xf32>
      %swap3A_346 = arith.constant 0 : i32
      %swap3A_347 = arith.index_cast %swap3A_346 : i32 to index
      %swap3A_348 = arith.index_cast %add3A_294 : i32 to index
      %swap3A_349 = arith.constant 48 : index
      %swap3A_350 = tpu.vector_load %arg7[%swap3A_347, %swap3A_348, %swap3A_349] {strides = array<i32>} : memref<2x128x128xf32, #tpu.memory_space<vmem>>, vector<1x1x16xf32>,
      %swap3A_351 = vector.shape_cast %swap3A_350 : vector<1x1x16xf32> to vector<16xf32>
      %swap3A_352 = vector.shape_cast %mul3A_345 : vector<16xf32> to vector<1x1x16xf32>
      tpu.vector_store %arg7[%swap3A_347, %swap3A_348, %swap3A_349], %swap3A_352 {strides = array<i32>} : memref<2x128x128xf32, #tpu.memory_space<vmem>>, vector<1x1x16xf32>,
      %get3A_353 = arith.constant 0 : i32
      %get3A_354 = arith.index_cast %get3A_353 : i32 to index
      %get3A_355 = arith.index_cast %add3A_294 : i32 to index
      %get3A_356 = arith.constant 64 : index
      %get3A_357 = tpu.vector_load %arg7[%get3A_354, %get3A_355, %get3A_356] {strides = array<i32>} : memref<2x128x128xf32, #tpu.memory_space<vmem>>, vector<1x1x16xf32>,
      %get3A_358 = vector.shape_cast %get3A_357 : vector<1x1x16xf32> to vector<16xf32>
      %mul3A_359 = vector.broadcast %scan3A_217 : f32 to vector<16xf32>
      %mul3A_360 = arith.mulf %get3A_358, %mul3A_359 : vector<16xf32>
      %swap3A_361 = arith.constant 0 : i32
      %swap3A_362 = arith.index_cast %swap3A_361 : i32 to index
      %swap3A_363 = arith.index_cast %add3A_294 : i32 to index
      %swap3A_364 = arith.constant 64 : index
      %swap3A_365 = tpu.vector_load %arg7[%swap3A_362, %swap3A_363, %swap3A_364] {strides = array<i32>} : memref<2x128x128xf32, #tpu.memory_space<vmem>>, vector<1x1x16xf32>,
      %swap3A_366 = vector.shape_cast %swap3A_365 : vector<1x1x16xf32> to vector<16xf32>
      %swap3A_367 = vector.shape_cast %mul3A_360 : vector<16xf32> to vector<1x1x16xf32>
      tpu.vector_store %arg7[%swap3A_362, %swap3A_363, %swap3A_364], %swap3A_367 {strides = array<i32>} : memref<2x128x128xf32, #tpu.memory_space<vmem>>, vector<1x1x16xf32>,
      %get3A_368 = arith.constant 0 : i32
      %get3A_369 = arith.index_cast %get3A_368 : i32 to index
      %get3A_370 = arith.index_cast %add3A_294 : i32 to index
      %get3A_371 = arith.constant 80 : index
      %get3A_372 = tpu.vector_load %arg7[%get3A_369, %get3A_370, %get3A_371] {strides = array<i32>} : memref<2x128x128xf32, #tpu.memory_space<vmem>>, vector<1x1x16xf32>,
      %get3A_373 = vector.shape_cast %get3A_372 : vector<1x1x16xf32> to vector<16xf32>
      %mul3A_374 = vector.broadcast %scan3A_217 : f32 to vector<16xf32>
      %mul3A_375 = arith.mulf %get3A_373, %mul3A_374 : vector<16xf32>
      %swap3A_376 = arith.constant 0 : i32
      %swap3A_377 = arith.index_cast %swap3A_376 : i32 to index
      %swap3A_378 = arith.index_cast %add3A_294 : i32 to index
      %swap3A_379 = arith.constant 80 : index
      %swap3A_380 = tpu.vector_load %arg7[%swap3A_377, %swap3A_378, %swap3A_379] {strides = array<i32>} : memref<2x128x128xf32, #tpu.memory_space<vmem>>, vector<1x1x16xf32>,
      %swap3A_381 = vector.shape_cast %swap3A_380 : vector<1x1x16xf32> to vector<16xf32>
      %swap3A_382 = vector.shape_cast %mul3A_375 : vector<16xf32> to vector<1x1x16xf32>
      tpu.vector_store %arg7[%swap3A_377, %swap3A_378, %swap3A_379], %swap3A_382 {strides = array<i32>} : memref<2x128x128xf32, #tpu.memory_space<vmem>>, vector<1x1x16xf32>,
      %get3A_383 = arith.constant 0 : i32
      %get3A_384 = arith.index_cast %get3A_383 : i32 to index
      %get3A_385 = arith.index_cast %add3A_294 : i32 to index
      %get3A_386 = arith.constant 96 : index
      %get3A_387 = tpu.vector_load %arg7[%get3A_384, %get3A_385, %get3A_386] {strides = array<i32>} : memref<2x128x128xf32, #tpu.memory_space<vmem>>, vector<1x1x16xf32>,
      %get3A_388 = vector.shape_cast %get3A_387 : vector<1x1x16xf32> to vector<16xf32>
      %mul3A_389 = vector.broadcast %scan3A_217 : f32 to vector<16xf32>
      %mul3A_390 = arith.mulf %get3A_388, %mul3A_389 : vector<16xf32>
      %swap3A_391 = arith.constant 0 : i32
      %swap3A_392 = arith.index_cast %swap3A_391 : i32 to index
      %swap3A_393 = arith.index_cast %add3A_294 : i32 to index
      %swap3A_394 = arith.constant 96 : index
      %swap3A_395 = tpu.vector_load %arg7[%swap3A_392, %swap3A_393, %swap3A_394] {strides = array<i32>} : memref<2x128x128xf32, #tpu.memory_space<vmem>>, vector<1x1x16xf32>,
      %swap3A_396 = vector.shape_cast %swap3A_395 : vector<1x1x16xf32> to vector<16xf32>
      %swap3A_397 = vector.shape_cast %mul3A_390 : vector<16xf32> to vector<1x1x16xf32>
      tpu.vector_store %arg7[%swap3A_392, %swap3A_393, %swap3A_394], %swap3A_397 {strides = array<i32>} : memref<2x128x128xf32, #tpu.memory_space<vmem>>, vector<1x1x16xf32>,
      %get3A_398 = arith.constant 0 : i32
      %get3A_399 = arith.index_cast %get3A_398 : i32 to index
      %get3A_400 = arith.index_cast %add3A_294 : i32 to index
      %get3A_401 = arith.constant 112 : index
      %get3A_402 = tpu.vector_load %arg7[%get3A_399, %get3A_400, %get3A_401] {strides = array<i32>} : memref<2x128x128xf32, #tpu.memory_space<vmem>>, vector<1x1x16xf32>,
      %get3A_403 = vector.shape_cast %get3A_402 : vector<1x1x16xf32> to vector<16xf32>
      %mul3A_404 = vector.broadcast %scan3A_217 : f32 to vector<16xf32>
      %mul3A_405 = arith.mulf %get3A_403, %mul3A_404 : vector<16xf32>
      %swap3A_406 = arith.constant 0 : i32
      %swap3A_407 = arith.index_cast %swap3A_406 : i32 to index
      %swap3A_408 = arith.index_cast %add3A_294 : i32 to index
      %swap3A_409 = arith.constant 112 : index
      %swap3A_410 = tpu.vector_load %arg7[%swap3A_407, %swap3A_408, %swap3A_409] {strides = array<i32>} : memref<2x128x128xf32, #tpu.memory_space<vmem>>, vector<1x1x16xf32>,
      %swap3A_411 = vector.shape_cast %swap3A_410 : vector<1x1x16xf32> to vector<16xf32>
      %swap3A_412 = vector.shape_cast %mul3A_405 : vector<16xf32> to vector<1x1x16xf32>
      tpu.vector_store %arg7[%swap3A_407, %swap3A_408, %swap3A_409], %swap3A_412 {strides = array<i32>} : memref<2x128x128xf32, #tpu.memory_space<vmem>>, vector<1x1x16xf32>,
    }
    %scan3A_222 = arith.constant 128 : i32
    %add3A_223 = arith.constant 256 : i32
    %add3A_224 = arith.addi %mul3A_2, %add3A_223 : i32
    %dma_start3A_225 = arith.constant 0 : i32
    %dma_start3A_226 = arith.constant 0 : i32
    %dma_start3A_227 = arith.constant 0 : i32
    %dma_start3A_228 = tpu.memref_slice %arg7[%dma_start3A_225, %dma_start3A_226, %dma_start3A_227] : memref<2x128x128xf32, #tpu.memory_space<vmem>> -> memref<1x128x128xf32, #tpu.memory_space<vmem>>
    %dma_start3A_229 = tpu.memref_squeeze %dma_start3A_228 : memref<1x128x128xf32, #tpu.memory_space<vmem>> -> memref<128x128xf32, #tpu.memory_space<vmem>>
    %dma_start3A_230 = arith.constant 0 : i32
    %dma_start3A_231 = tpu.memref_slice %arg4[%add3A_224, %dma_start3A_230] : memref<16384x128xf32, #tpu.memory_space<hbm>> -> memref<128x128xf32, #tpu.memory_space<hbm>>
    %dma_start3A_232 = arith.constant 0 : i32
    %dma_start3A_233 = tpu.memref_slice %arg4[%add3A_224, %dma_start3A_232] : memref<16384x128xf32, #tpu.memory_space<hbm>> -> memref<128x128xf32, #tpu.memory_space<hbm>>
    %dma_start3A_234 = arith.constant 0 : i32
    %dma_start3A_235 = arith.constant 0 : i32
    %dma_start3A_236 = tpu.memref_slice %arg7[%dma_start3A_225, %dma_start3A_234, %dma_start3A_235] : memref<2x128x128xf32, #tpu.memory_space<vmem>> -> memref<1x128x128xf32, #tpu.memory_space<vmem>>
    %dma_start3A_237 = tpu.memref_squeeze %dma_start3A_236 : memref<1x128x128xf32, #tpu.memory_space<vmem>> -> memref<128x128xf32, #tpu.memory_space<vmem>>
    tpu.enqueue_dma source(%dma_start3A_237 : memref<128x128xf32, #tpu.memory_space<vmem>>) target(%dma_start3A_233 : memref<128x128xf32, #tpu.memory_space<hbm>>) target_semaphore(%arg12 : memref<!tpu.dma_semaphore, #tpu.memory_space<semaphore_mem>>)
    %scan3A_238 = arith.constant 0 : i32
    %scan3A_239 = arith.constant 9 : i32
    %scan3A_240 = arith.addi %scan3A_238, %scan3A_239 : i32
    %scan3A_241 = arith.constant 1 : i32
    scf.for %scan3A_290 = %scan3A_238 to %scan3A_240 step %scan3A_241  : i32 {
      %mul3A_291 = arith.constant 1 : i32
      %mul3A_292 = arith.muli %scan3A_290, %mul3A_291 : i32
      %add3A_293 = arith.constant 1 : i32
      %add3A_294 = arith.addi %add3A_293, %mul3A_292 : i32
      %dma_wait3A_295 = arith.constant 1 : i32
      %dma_wait3A_296 = arith.constant 0 : i32
      %dma_wait3A_297 = arith.constant 0 : i32
      %dma_wait3A_298 = tpu.memref_slice %arg7[%dma_wait3A_295, %dma_wait3A_296, %dma_wait3A_297] : memref<2x128x128xf32, #tpu.memory_space<vmem>> -> memref<1x128x128xf32, #tpu.memory_space<vmem>>
      %dma_wait3A_299 = tpu.memref_squeeze %dma_wait3A_298 : memref<1x128x128xf32, #tpu.memory_space<vmem>> -> memref<128x128xf32, #tpu.memory_space<vmem>>
      %dma_wait3A_300 = arith.constant 0 : i32
      %dma_wait3A_301 = arith.constant 0 : i32
      %dma_wait3A_302 = tpu.memref_slice %arg3[%dma_wait3A_300, %dma_wait3A_301] : memref<10000x128xf32, #tpu.memory_space<hbm>> -> memref<128x128xf32, #tpu.memory_space<hbm>>
      %dma_wait3A_303 = arith.constant 0 : i32
      %dma_wait3A_304 = arith.constant 0 : i32
      %dma_wait3A_305 = tpu.memref_slice %arg7[%dma_wait3A_295, %dma_wait3A_303, %dma_wait3A_304] : memref<2x128x128xf32, #tpu.memory_space<vmem>> -> memref<1x128x128xf32, #tpu.memory_space<vmem>>
      %dma_wait3A_306 = tpu.memref_squeeze %dma_wait3A_305 : memref<1x128x128xf32, #tpu.memory_space<vmem>> -> memref<128x128xf32, #tpu.memory_space<vmem>>
      %dma_wait3A_307 = arith.constant 0 : i32
      %dma_wait3A_308 = arith.constant 0 : i32
      %dma_wait3A_309 = tpu.memref_slice %arg3[%dma_wait3A_307, %dma_wait3A_308] : memref<10000x128xf32, #tpu.memory_space<hbm>> -> memref<128x128xf32, #tpu.memory_space<hbm>>
      tpu.wait_dma2 semaphore(%arg11 : memref<!tpu.dma_semaphore, #tpu.memory_space<semaphore_mem>>) src(%dma_wait3A_309 : memref<128x128xf32, #tpu.memory_space<hbm>>) dst(%dma_wait3A_306 : memref<128x128xf32, #tpu.memory_space<vmem>>)
    }
    %scan3A_242 = arith.constant 9 : i32
    %scan3A_243 = arith.constant 1.000000e-01 : f32
    %scan3A_244 = arith.constant 0 : i32
    %scan3A_245 = arith.constant 128 : i32
    %scan3A_246 = arith.addi %scan3A_244, %scan3A_245 : i32
    %scan3A_247 = arith.constant 1 : i32
    scf.for %scan3A_290 = %scan3A_244 to %scan3A_246 step %scan3A_247  : i32 {
      %mul3A_291 = arith.constant 1 : i32
      %mul3A_292 = arith.muli %scan3A_290, %mul3A_291 : i32
      %add3A_293 = arith.constant 0 : i32
      %add3A_294 = arith.addi %add3A_293, %mul3A_292 : i32
      %get3A = arith.constant 1 : i32
      %get3A_295 = arith.index_cast %get3A : i32 to index
      %get3A_296 = arith.index_cast %add3A_294 : i32 to index
      %get3A_297 = arith.constant 0 : index
      %get3A_298 = tpu.vector_load %arg7[%get3A_295, %get3A_296, %get3A_297] {strides = array<i32>} : memref<2x128x128xf32, #tpu.memory_space<vmem>>, vector<1x1x16xf32>,
      %get3A_299 = vector.shape_cast %get3A_298 : vector<1x1x16xf32> to vector<16xf32>
      %mul3A_300 = vector.broadcast %scan3A_243 : f32 to vector<16xf32>
      %mul3A_301 = arith.mulf %get3A_299, %mul3A_300 : vector<16xf32>
      %swap3A = arith.constant 1 : i32
      %swap3A_302 = arith.index_cast %swap3A : i32 to index
      %swap3A_303 = arith.index_cast %add3A_294 : i32 to index
      %swap3A_304 = arith.constant 0 : index
      %swap3A_305 = tpu.vector_load %arg7[%swap3A_302, %swap3A_303, %swap3A_304] {strides = array<i32>} : memref<2x128x128xf32, #tpu.memory_space<vmem>>, vector<1x1x16xf32>,
      %swap3A_306 = vector.shape_cast %swap3A_305 : vector<1x1x16xf32> to vector<16xf32>
      %swap3A_307 = vector.shape_cast %mul3A_301 : vector<16xf32> to vector<1x1x16xf32>
      tpu.vector_store %arg7[%swap3A_302, %swap3A_303, %swap3A_304], %swap3A_307 {strides = array<i32>} : memref<2x128x128xf32, #tpu.memory_space<vmem>>, vector<1x1x16xf32>,
      %get3A_308 = arith.constant 1 : i32
      %get3A_309 = arith.index_cast %get3A_308 : i32 to index
      %get3A_310 = arith.index_cast %add3A_294 : i32 to index
      %get3A_311 = arith.constant 16 : index
      %get3A_312 = tpu.vector_load %arg7[%get3A_309, %get3A_310, %get3A_311] {strides = array<i32>} : memref<2x128x128xf32, #tpu.memory_space<vmem>>, vector<1x1x16xf32>,
      %get3A_313 = vector.shape_cast %get3A_312 : vector<1x1x16xf32> to vector<16xf32>
      %mul3A_314 = vector.broadcast %scan3A_243 : f32 to vector<16xf32>
      %mul3A_315 = arith.mulf %get3A_313, %mul3A_314 : vector<16xf32>
      %swap3A_316 = arith.constant 1 : i32
      %swap3A_317 = arith.index_cast %swap3A_316 : i32 to index
      %swap3A_318 = arith.index_cast %add3A_294 : i32 to index
      %swap3A_319 = arith.constant 16 : index
      %swap3A_320 = tpu.vector_load %arg7[%swap3A_317, %swap3A_318, %swap3A_319] {strides = array<i32>} : memref<2x128x128xf32, #tpu.memory_space<vmem>>, vector<1x1x16xf32>,
      %swap3A_321 = vector.shape_cast %swap3A_320 : vector<1x1x16xf32> to vector<16xf32>
      %swap3A_322 = vector.shape_cast %mul3A_315 : vector<16xf32> to vector<1x1x16xf32>
      tpu.vector_store %arg7[%swap3A_317, %swap3A_318, %swap3A_319], %swap3A_322 {strides = array<i32>} : memref<2x128x128xf32, #tpu.memory_space<vmem>>, vector<1x1x16xf32>,
      %get3A_323 = arith.constant 1 : i32
      %get3A_324 = arith.index_cast %get3A_323 : i32 to index
      %get3A_325 = arith.index_cast %add3A_294 : i32 to index
      %get3A_326 = arith.constant 32 : index
      %get3A_327 = tpu.vector_load %arg7[%get3A_324, %get3A_325, %get3A_326] {strides = array<i32>} : memref<2x128x128xf32, #tpu.memory_space<vmem>>, vector<1x1x16xf32>,
      %get3A_328 = vector.shape_cast %get3A_327 : vector<1x1x16xf32> to vector<16xf32>
      %mul3A_329 = vector.broadcast %scan3A_243 : f32 to vector<16xf32>
      %mul3A_330 = arith.mulf %get3A_328, %mul3A_329 : vector<16xf32>
      %swap3A_331 = arith.constant 1 : i32
      %swap3A_332 = arith.index_cast %swap3A_331 : i32 to index
      %swap3A_333 = arith.index_cast %add3A_294 : i32 to index
      %swap3A_334 = arith.constant 32 : index
      %swap3A_335 = tpu.vector_load %arg7[%swap3A_332, %swap3A_333, %swap3A_334] {strides = array<i32>} : memref<2x128x128xf32, #tpu.memory_space<vmem>>, vector<1x1x16xf32>,
      %swap3A_336 = vector.shape_cast %swap3A_335 : vector<1x1x16xf32> to vector<16xf32>
      %swap3A_337 = vector.shape_cast %mul3A_330 : vector<16xf32> to vector<1x1x16xf32>
      tpu.vector_store %arg7[%swap3A_332, %swap3A_333, %swap3A_334], %swap3A_337 {strides = array<i32>} : memref<2x128x128xf32, #tpu.memory_space<vmem>>, vector<1x1x16xf32>,
      %get3A_338 = arith.constant 1 : i32
      %get3A_339 = arith.index_cast %get3A_338 : i32 to index
      %get3A_340 = arith.index_cast %add3A_294 : i32 to index
      %get3A_341 = arith.constant 48 : index
      %get3A_342 = tpu.vector_load %arg7[%get3A_339, %get3A_340, %get3A_341] {strides = array<i32>} : memref<2x128x128xf32, #tpu.memory_space<vmem>>, vector<1x1x16xf32>,
      %get3A_343 = vector.shape_cast %get3A_342 : vector<1x1x16xf32> to vector<16xf32>
      %mul3A_344 = vector.broadcast %scan3A_243 : f32 to vector<16xf32>
      %mul3A_345 = arith.mulf %get3A_343, %mul3A_344 : vector<16xf32>
      %swap3A_346 = arith.constant 1 : i32
      %swap3A_347 = arith.index_cast %swap3A_346 : i32 to index
      %swap3A_348 = arith.index_cast %add3A_294 : i32 to index
      %swap3A_349 = arith.constant 48 : index
      %swap3A_350 = tpu.vector_load %arg7[%swap3A_347, %swap3A_348, %swap3A_349] {strides = array<i32>} : memref<2x128x128xf32, #tpu.memory_space<vmem>>, vector<1x1x16xf32>,
      %swap3A_351 = vector.shape_cast %swap3A_350 : vector<1x1x16xf32> to vector<16xf32>
      %swap3A_352 = vector.shape_cast %mul3A_345 : vector<16xf32> to vector<1x1x16xf32>
      tpu.vector_store %arg7[%swap3A_347, %swap3A_348, %swap3A_349], %swap3A_352 {strides = array<i32>} : memref<2x128x128xf32, #tpu.memory_space<vmem>>, vector<1x1x16xf32>,
      %get3A_353 = arith.constant 1 : i32
      %get3A_354 = arith.index_cast %get3A_353 : i32 to index
      %get3A_355 = arith.index_cast %add3A_294 : i32 to index
      %get3A_356 = arith.constant 64 : index
      %get3A_357 = tpu.vector_load %arg7[%get3A_354, %get3A_355, %get3A_356] {strides = array<i32>} : memref<2x128x128xf32, #tpu.memory_space<vmem>>, vector<1x1x16xf32>,
      %get3A_358 = vector.shape_cast %get3A_357 : vector<1x1x16xf32> to vector<16xf32>
      %mul3A_359 = vector.broadcast %scan3A_243 : f32 to vector<16xf32>
      %mul3A_360 = arith.mulf %get3A_358, %mul3A_359 : vector<16xf32>
      %swap3A_361 = arith.constant 1 : i32
      %swap3A_362 = arith.index_cast %swap3A_361 : i32 to index
      %swap3A_363 = arith.index_cast %add3A_294 : i32 to index
      %swap3A_364 = arith.constant 64 : index
      %swap3A_365 = tpu.vector_load %arg7[%swap3A_362, %swap3A_363, %swap3A_364] {strides = array<i32>} : memref<2x128x128xf32, #tpu.memory_space<vmem>>, vector<1x1x16xf32>,
      %swap3A_366 = vector.shape_cast %swap3A_365 : vector<1x1x16xf32> to vector<16xf32>
      %swap3A_367 = vector.shape_cast %mul3A_360 : vector<16xf32> to vector<1x1x16xf32>
      tpu.vector_store %arg7[%swap3A_362, %swap3A_363, %swap3A_364], %swap3A_367 {strides = array<i32>} : memref<2x128x128xf32, #tpu.memory_space<vmem>>, vector<1x1x16xf32>,
      %get3A_368 = arith.constant 1 : i32
      %get3A_369 = arith.index_cast %get3A_368 : i32 to index
      %get3A_370 = arith.index_cast %add3A_294 : i32 to index
      %get3A_371 = arith.constant 80 : index
      %get3A_372 = tpu.vector_load %arg7[%get3A_369, %get3A_370, %get3A_371] {strides = array<i32>} : memref<2x128x128xf32, #tpu.memory_space<vmem>>, vector<1x1x16xf32>,
      %get3A_373 = vector.shape_cast %get3A_372 : vector<1x1x16xf32> to vector<16xf32>
      %mul3A_374 = vector.broadcast %scan3A_243 : f32 to vector<16xf32>
      %mul3A_375 = arith.mulf %get3A_373, %mul3A_374 : vector<16xf32>
      %swap3A_376 = arith.constant 1 : i32
      %swap3A_377 = arith.index_cast %swap3A_376 : i32 to index
      %swap3A_378 = arith.index_cast %add3A_294 : i32 to index
      %swap3A_379 = arith.constant 80 : index
      %swap3A_380 = tpu.vector_load %arg7[%swap3A_377, %swap3A_378, %swap3A_379] {strides = array<i32>} : memref<2x128x128xf32, #tpu.memory_space<vmem>>, vector<1x1x16xf32>,
      %swap3A_381 = vector.shape_cast %swap3A_380 : vector<1x1x16xf32> to vector<16xf32>
      %swap3A_382 = vector.shape_cast %mul3A_375 : vector<16xf32> to vector<1x1x16xf32>
      tpu.vector_store %arg7[%swap3A_377, %swap3A_378, %swap3A_379], %swap3A_382 {strides = array<i32>} : memref<2x128x128xf32, #tpu.memory_space<vmem>>, vector<1x1x16xf32>,
      %get3A_383 = arith.constant 1 : i32
      %get3A_384 = arith.index_cast %get3A_383 : i32 to index
      %get3A_385 = arith.index_cast %add3A_294 : i32 to index
      %get3A_386 = arith.constant 96 : index
      %get3A_387 = tpu.vector_load %arg7[%get3A_384, %get3A_385, %get3A_386] {strides = array<i32>} : memref<2x128x128xf32, #tpu.memory_space<vmem>>, vector<1x1x16xf32>,
      %get3A_388 = vector.shape_cast %get3A_387 : vector<1x1x16xf32> to vector<16xf32>
      %mul3A_389 = vector.broadcast %scan3A_243 : f32 to vector<16xf32>
      %mul3A_390 = arith.mulf %get3A_388, %mul3A_389 : vector<16xf32>
      %swap3A_391 = arith.constant 1 : i32
      %swap3A_392 = arith.index_cast %swap3A_391 : i32 to index
      %swap3A_393 = arith.index_cast %add3A_294 : i32 to index
      %swap3A_394 = arith.constant 96 : index
      %swap3A_395 = tpu.vector_load %arg7[%swap3A_392, %swap3A_393, %swap3A_394] {strides = array<i32>} : memref<2x128x128xf32, #tpu.memory_space<vmem>>, vector<1x1x16xf32>,
      %swap3A_396 = vector.shape_cast %swap3A_395 : vector<1x1x16xf32> to vector<16xf32>
      %swap3A_397 = vector.shape_cast %mul3A_390 : vector<16xf32> to vector<1x1x16xf32>
      tpu.vector_store %arg7[%swap3A_392, %swap3A_393, %swap3A_394], %swap3A_397 {strides = array<i32>} : memref<2x128x128xf32, #tpu.memory_space<vmem>>, vector<1x1x16xf32>,
      %get3A_398 = arith.constant 1 : i32
      %get3A_399 = arith.index_cast %get3A_398 : i32 to index
      %get3A_400 = arith.index_cast %add3A_294 : i32 to index
      %get3A_401 = arith.constant 112 : index
      %get3A_402 = tpu.vector_load %arg7[%get3A_399, %get3A_400, %get3A_401] {strides = array<i32>} : memref<2x128x128xf32, #tpu.memory_space<vmem>>, vector<1x1x16xf32>,
      %get3A_403 = vector.shape_cast %get3A_402 : vector<1x1x16xf32> to vector<16xf32>
      %mul3A_404 = vector.broadcast %scan3A_243 : f32 to vector<16xf32>
      %mul3A_405 = arith.mulf %get3A_403, %mul3A_404 : vector<16xf32>
      %swap3A_406 = arith.constant 1 : i32
      %swap3A_407 = arith.index_cast %swap3A_406 : i32 to index
      %swap3A_408 = arith.index_cast %add3A_294 : i32 to index
      %swap3A_409 = arith.constant 112 : index
      %swap3A_410 = tpu.vector_load %arg7[%swap3A_407, %swap3A_408, %swap3A_409] {strides = array<i32>} : memref<2x128x128xf32, #tpu.memory_space<vmem>>, vector<1x1x16xf32>,
      %swap3A_411 = vector.shape_cast %swap3A_410 : vector<1x1x16xf32> to vector<16xf32>
      %swap3A_412 = vector.shape_cast %mul3A_405 : vector<16xf32> to vector<1x1x16xf32>
      tpu.vector_store %arg7[%swap3A_407, %swap3A_408, %swap3A_409], %swap3A_412 {strides = array<i32>} : memref<2x128x128xf32, #tpu.memory_space<vmem>>, vector<1x1x16xf32>,
    }
    %scan3A_248 = arith.constant 128 : i32
    %add3A_249 = arith.constant 384 : i32
    %add3A_250 = arith.addi %mul3A_2, %add3A_249 : i32
    %dma_start3A_251 = arith.constant 1 : i32
    %dma_start3A_252 = arith.constant 0 : i32
    %dma_start3A_253 = arith.constant 0 : i32
    %dma_start3A_254 = tpu.memref_slice %arg7[%dma_start3A_251, %dma_start3A_252, %dma_start3A_253] : memref<2x128x128xf32, #tpu.memory_space<vmem>> -> memref<1x128x128xf32, #tpu.memory_space<vmem>>
    %dma_start3A_255 = tpu.memref_squeeze %dma_start3A_254 : memref<1x128x128xf32, #tpu.memory_space<vmem>> -> memref<128x128xf32, #tpu.memory_space<vmem>>
    %dma_start3A_256 = arith.constant 0 : i32
    %dma_start3A_257 = tpu.memref_slice %arg4[%add3A_250, %dma_start3A_256] : memref<16384x128xf32, #tpu.memory_space<hbm>> -> memref<128x128xf32, #tpu.memory_space<hbm>>
    %dma_start3A_258 = arith.constant 0 : i32
    %dma_start3A_259 = tpu.memref_slice %arg4[%add3A_250, %dma_start3A_258] : memref<16384x128xf32, #tpu.memory_space<hbm>> -> memref<128x128xf32, #tpu.memory_space<hbm>>
    %dma_start3A_260 = arith.constant 0 : i32
    %dma_start3A_261 = arith.constant 0 : i32
    %dma_start3A_262 = tpu.memref_slice %arg7[%dma_start3A_251, %dma_start3A_260, %dma_start3A_261] : memref<2x128x128xf32, #tpu.memory_space<vmem>> -> memref<1x128x128xf32, #tpu.memory_space<vmem>>
    %dma_start3A_263 = tpu.memref_squeeze %dma_start3A_262 : memref<1x128x128xf32, #tpu.memory_space<vmem>> -> memref<128x128xf32, #tpu.memory_space<vmem>>
    tpu.enqueue_dma source(%dma_start3A_263 : memref<128x128xf32, #tpu.memory_space<vmem>>) target(%dma_start3A_259 : memref<128x128xf32, #tpu.memory_space<hbm>>) target_semaphore(%arg13 : memref<!tpu.dma_semaphore, #tpu.memory_space<semaphore_mem>>)
    %dma_wait3A_264 = arith.constant 0 : i32
    %dma_wait3A_265 = arith.constant 0 : i32
    %dma_wait3A_266 = arith.constant 0 : i32
    %dma_wait3A_267 = tpu.memref_slice %arg7[%dma_wait3A_264, %dma_wait3A_265, %dma_wait3A_266] : memref<2x128x128xf32, #tpu.memory_space<vmem>> -> memref<1x128x128xf32, #tpu.memory_space<vmem>>
    %dma_wait3A_268 = tpu.memref_squeeze %dma_wait3A_267 : memref<1x128x128xf32, #tpu.memory_space<vmem>> -> memref<128x128xf32, #tpu.memory_space<vmem>>
    %dma_wait3A_269 = arith.constant 0 : i32
    %dma_wait3A_270 = tpu.memref_slice %arg4[%mul3A_2, %dma_wait3A_269] : memref<16384x128xf32, #tpu.memory_space<hbm>> -> memref<128x128xf32, #tpu.memory_space<hbm>>
    %dma_wait3A_271 = arith.constant 0 : i32
    %dma_wait3A_272 = tpu.memref_slice %arg4[%mul3A_2, %dma_wait3A_271] : memref<16384x128xf32, #tpu.memory_space<hbm>> -> memref<128x128xf32, #tpu.memory_space<hbm>>
    %dma_wait3A_273 = arith.constant 0 : i32
    %dma_wait3A_274 = arith.constant 0 : i32
    %dma_wait3A_275 = tpu.memref_slice %arg7[%dma_wait3A_264, %dma_wait3A_273, %dma_wait3A_274] : memref<2x128x128xf32, #tpu.memory_space<vmem>> -> memref<1x128x128xf32, #tpu.memory_space<vmem>>
    %dma_wait3A_276 = tpu.memref_squeeze %dma_wait3A_275 : memref<1x128x128xf32, #tpu.memory_space<vmem>> -> memref<128x128xf32, #tpu.memory_space<vmem>>
    tpu.wait_dma2 semaphore(%arg12 : memref<!tpu.dma_semaphore, #tpu.memory_space<semaphore_mem>>) src(%dma_wait3A_276 : memref<128x128xf32, #tpu.memory_space<vmem>>) dst(%dma_wait3A_272 : memref<128x128xf32, #tpu.memory_space<hbm>>)
    %dma_wait3A_277 = arith.constant 1 : i32
    %dma_wait3A_278 = arith.constant 0 : i32
    %dma_wait3A_279 = arith.constant 0 : i32
    %dma_wait3A_280 = tpu.memref_slice %arg7[%dma_wait3A_277, %dma_wait3A_278, %dma_wait3A_279] : memref<2x128x128xf32, #tpu.memory_space<vmem>> -> memref<1x128x128xf32, #tpu.memory_space<vmem>>
    %dma_wait3A_281 = tpu.memref_squeeze %dma_wait3A_280 : memref<1x128x128xf32, #tpu.memory_space<vmem>> -> memref<128x128xf32, #tpu.memory_space<vmem>>
    %dma_wait3A_282 = arith.constant 0 : i32
    %dma_wait3A_283 = tpu.memref_slice %arg4[%mul3A_2, %dma_wait3A_282] : memref<16384x128xf32, #tpu.memory_space<hbm>> -> memref<128x128xf32, #tpu.memory_space<hbm>>
    %dma_wait3A_284 = arith.constant 0 : i32
    %dma_wait3A_285 = tpu.memref_slice %arg4[%mul3A_2, %dma_wait3A_284] : memref<16384x128xf32, #tpu.memory_space<hbm>> -> memref<128x128xf32, #tpu.memory_space<hbm>>
    %dma_wait3A_286 = arith.constant 0 : i32
    %dma_wait3A_287 = arith.constant 0 : i32
    %dma_wait3A_288 = tpu.memref_slice %arg7[%dma_wait3A_277, %dma_wait3A_286, %dma_wait3A_287] : memref<2x128x128xf32, #tpu.memory_space<vmem>> -> memref<1x128x128xf32, #tpu.memory_space<vmem>>
    %dma_wait3A_289 = tpu.memref_squeeze %dma_wait3A_288 : memref<1x128x128xf32, #tpu.memory_space<vmem>> -> memref<128x128xf32, #tpu.memory_space<vmem>>
    tpu.wait_dma2 semaphore(%arg13 : memref<!tpu.dma_semaphore, #tpu.memory_space<semaphore_mem>>) src(%dma_wait3A_289 : memref<128x128xf32, #tpu.memory_space<vmem>>) dst(%dma_wait3A_285 : memref<128x128xf32, #tpu.memory_space<hbm>>)
    return
  }
}

</mosaic_0001>

<sc_bundles>
// kernel: _pooled_lookup.3.cloned.1.call-start
scs
__scs_entry_jumppad:
0x0: {  	(pc) =	sbr.rel $0x88, $3  }
0x1: {  	(tag) =	ssettag $0x0;
	lr =	simm.s32 $0x1  }
0x2: {  	[smem:$0x3F9F] =	sst lr;
	_ =	strace $0xD0000000  }
0x3: {  	_ = 	snop  }
0x4: {  	_ = 	snop  }
0x5: {  	_ = 	snop  }
0x6: {  	_ = 	snop  }
0x7: {  	_ = 	snop  }
__scs_overlays_trampoline_lowered:
0x8: {  	[smem:$0x3FAE] =	sst s0  }
0x9: {  	[smem:$0x3FAF] =	sst s1  }
0xa: {  	[smem:$0x3FB0] =	sst s2  }
0xb: {  	[smem:$0x3FB1] =	sst s3  }
0xc: {  	[smem:$0x3FB2] =	sst s4  }
0xd: {  	[smem:$0x3FB3] =	sst s5  }
0xe: {  	[smem:$0x3FB4] =	sst s6  }
0xf: {  	[smem:$0x3FB5] =	sst s7  }
0x10: {  	[smem:$0x3FB6] =	sst s8  }
0x11: {  	[smem:$0x3FB7] =	sst s9;
	s0 =	simm.s32 @!p0 $0x0  }
0x12: {  	s1 =	sld [smem:$0x3F9D];
	s0 =	simm.s32 @p0 $0x1  }
0x13: {  	[smem:$0x3FB8] =	sst s0;
	s0 =	simm.s32 @!p1 $0x0  }
0x14: {  	s2 =	sld [smem:$0x3F9C];
	s0 =	simm.s32 @p1 $0x1  }
0x15: {  	[smem:$0x3FB9] =	sst s0;
	s0 =	simm.s32 @!p2 $0x0  }
0x16: {  	s3 =	sld [smem:$0x3FDB];
	s0 =	simm.s32 @p2 $0x1  }
0x17: {  	s4 =	simm.s32 $0x1BF5;
	[smem:$0x3FBB] =	sst s0  }
0x18: {  	s0 =	sld [smem:$0x3F9E];
	_ =	swait.ge [sflag:s4], $0x0  }
0x19: {  	s7 =	sld [smem:$0x3F9F]  }
0x1a: {  	s8 =	sadd.s32 $0xFFFFE003, lr  }
0x1b: {  	s9 =	sadd.s32 $0xFFFFFEF7, lr;
	s5 =	simm.s32 $0xFFFFFFFF;
	p2 =	slt.u32 s8, $0xFFFFF086  }
0x1c: {  	p1 =	slt.u32 s9, $0xF7A;
	s5 =	simm.s32 @!p2 $0x0  }
0x1d: {  	s5 =	simm.s32 @p1 $0x1;
	p0 =	seq.s32 s7, s2  }
0x1e: {  	s7 =	smul.u32 @!p0 $0xF7A, s2;
	p2 =	seq.s32 @!p0 s5, $0x0  }
0x1f: {  	s9 =	smul.u32 $0xF7A, s1;
	s8 =	simm.s32 @!p0 $0x1BF5;
	p2 =	por !p2, p0  }
0x20: {  	[sflag:s8] =	ssyncset.s32 @!p0 $0xFFFFF086;
	s6 =	sadd.s32 @!p0 s3, s7;
	s7 =	simm.s32 @!p0 $0x108  }
0x21: {  	s3 =	sadd.s32 s3, s9;
	s6 =	sadd.s32 @!p0 $0x88, s6;
	s7 =	simm.s32 @p2 $0x1082  }
0x22: {  	[simem:s7], [sflag:s8] =	dma.local @!p0 [hbm:s6], $0xF7A  }
0x23: {  	s9 =	sor.u32 $0xD0000000, s2;
	s6 =	simm.s32 $0x108;
	_ =	swait.ge @!p0 [sflag:s8], $0x0  }
0x24: {  	s3 =	sadd.s32 $0x88, s3;
	s6 =	simm.s32 @!p1 $0x1082;
	[sflag:s4] =	ssyncset.s32 $0xFFFFF086  }
0x25: {  	[simem:s6], [sflag:s4] =	dma.local [hbm:s3], $0xF7A  }
0x26: {  	[smem:$0x3F9F] =	sst s1;
	(tag) =	ssettag s2;
	_ =	strace s9  }
0x27: {  	s1 =	sld [smem:$0x3FAF]  }
0x28: {  	s2 =	sld [smem:$0x3FB0]  }
0x29: {  	s4 =	sld [smem:$0x3FB2]  }
0x2a: {  	p0 =	seq.s32 s5, $0x0;
	s5 =	sld [smem:$0x3FB3]  }
0x2b: {  	s6 =	sld [smem:$0x3FB4]  }
0x2c: {  	s7 =	sld [smem:$0x3FB5]  }
0x2d: {  	s3 =	simm.s32 $0x108;
	s8 =	sld [smem:$0x3FB6]  }
0x2e: {  	s3 =	simm.s32 @!p0 $0x1082;
	s9 =	sld [smem:$0x3FB7]  }
0x2f: {  	lr =	sadd.s32 s0, s3;
	s0 =	sld [smem:$0x3FAE]  }
0x30: {  	s3 =	sld [smem:$0x3FB1]  }
0x31: {  	[smem:$0x3FBA] =	sst s10  }
0x32: {  	s10 =	sld [smem:$0x3FB8];
	_ =	sdelay $0x3  }
0x33: {  	p0 =	seq.s32 s10, $0x1;
	s10 =	sld [smem:$0x3FBA];
	_ =	sdelay $0x3  }
0x34: {  	[smem:$0x3FBA] =	sst s10  }
0x35: {  	s10 =	sld [smem:$0x3FB9];
	_ =	sdelay $0x3  }
0x36: {  	p1 =	seq.s32 s10, $0x1;
	s10 =	sld [smem:$0x3FBA];
	_ =	sdelay $0x3  }
0x37: {  	[smem:$0x3FBA] =	sst s10  }
0x38: {  	s10 =	sld [smem:$0x3FBB]  }
0x39: {  	_ = 	snop;
	(pc) =	sbr.ind lr, $3  }
0x3a: {  	_ = 	snop  }
0x3b: {  	_ = 	snop  }
0x3c: {  	p2 =	seq.s32 s10, $0x1;
	s10 =	sld [smem:$0x3FBA]  }
0x3d: {  	_ =	shalt  }
0x3e: {  	_ =	shalt  }
0x3f: {  	_ =	shalt  }
0x40: {  	_ =	shalt  }
0x41: {  	_ =	shalt  }
0x42: {  	_ =	shalt  }
0x43: {  	_ =	shalt  }
0x44: {  	_ =	shalt  }
0x45: {  	_ =	shalt  }
0x46: {  	_ =	shalt  }
0x47: {  	_ =	shalt  }
0x48: {  	_ =	shalt  }
0x49: {  	_ =	shalt  }
0x4a: {  	_ =	shalt  }
0x4b: {  	_ =	shalt  }
0x4c: {  	_ =	shalt  }
0x4d: {  	_ =	shalt  }
0x4e: {  	_ =	shalt  }
0x4f: {  	_ =	shalt  }
0x50: {  	_ =	shalt  }
0x51: {  	_ =	shalt  }
0x52: {  	_ =	shalt  }
0x53: {  	_ =	shalt  }
0x54: {  	_ =	shalt  }
0x55: {  	_ =	shalt  }
0x56: {  	_ =	shalt  }
0x57: {  	_ =	shalt  }
0x58: {  	_ =	shalt  }
0x59: {  	_ =	shalt  }
0x5a: {  	_ =	shalt  }
0x5b: {  	_ =	shalt  }
0x5c: {  	_ =	shalt  }
0x5d: {  	_ =	shalt  }
0x5e: {  	_ =	shalt  }
0x5f: {  	_ =	shalt  }
0x60: {  	_ =	shalt  }
0x61: {  	_ =	shalt  }
0x62: {  	_ =	shalt  }
0x63: {  	_ =	shalt  }
0x64: {  	_ =	shalt  }
0x65: {  	_ =	shalt  }
0x66: {  	_ =	shalt  }
0x67: {  	_ =	shalt  }
0x68: {  	_ =	shalt  }
0x69: {  	_ =	shalt  }
0x6a: {  	_ =	shalt  }
0x6b: {  	_ =	shalt  }
0x6c: {  	_ =	shalt  }
0x6d: {  	_ =	shalt  }
0x6e: {  	_ =	shalt  }
0x6f: {  	_ =	shalt  }
0x70: {  	_ =	shalt  }
0x71: {  	_ =	shalt  }
0x72: {  	_ =	shalt  }
0x73: {  	_ =	shalt  }
0x74: {  	_ =	shalt  }
0x75: {  	_ =	shalt  }
0x76: {  	_ =	shalt  }
0x77: {  	_ =	shalt  }
0x78: {  	_ =	shalt  }
0x79: {  	_ =	shalt  }
0x7a: {  	_ =	shalt  }
0x7b: {  	_ =	shalt  }
0x7c: {  	_ =	shalt  }
0x7d: {  	_ =	shalt  }
0x7e: {  	_ =	shalt  }
0x7f: {  	_ =	shalt  }
0x80: {  	_ =	shalt  }
0x81: {  	_ =	shalt  }
0x82: {  	_ =	shalt  }
0x83: {  	_ =	shalt  }
0x84: {  	_ =	shalt  }
0x85: {  	_ =	shalt  }
0x86: {  	_ =	shalt  }
0x87: {  	_ =	shalt  }
.Lfunc_end0:
.L_simem_size_0:
called_computation_lowered:
.L_overlay_start_0:
0x88: {  	s2 =	sld [smem:$0x3FD9]  }
0x89: {  	s3 =	sld [smem:$0x3FFE];
	_ =	sdelay $0x1  }
0x8a: {  	s1 =	srdreg.scid  }
0x8b: {  	s0 =	sand.u32 $0x1, s1  }
0x8c: {  	s18 =	sshll.u32 s0, $0xA;
	s2 =	sadd.s32 s3, s2  }
0x8d: {  	s2 =	sadd.s32 s2, s18  }
0x8e: {  	[smem:$0x3FC6] =	sst s2  }
0x8f: {  	_ = 	snop  }
0x90: {  	s2 =	sld [smem:$0x3FC9]  }
0x91: {  	s19 =	sld [smem:$0x3FC8]  }
0x92: {  	s4 =	sld [smem:$0x3FD0];
	(tm) =	ssettm $0x1  }
0x93: {  	s5 =	sld [smem:$0x3FFB];
	_ =	sdelay $0x3  }
0x94: {  	_ =	strace s5  }
0x95: {  	s5 =	sld [smem:$0x3FFC];
	_ =	sdelay $0x3  }
0x96: {  	_ =	strace s5  }
0x97: {  	s5 =	sld [smem:$0x3FFD];
	_ =	sdelay $0x3  }
0x98: {  	_ =	strace s5  }
0x99: {  	_ =	strace $0x8FFFFFFF  }
0x9a: {  	s20 =	sld [smem:$0x3FDB];
	_ =	sdelay $0x1  }
0x9b: {  	s6 =	simm.s32 $_scs_section_size  }
0x9c: {  	s7 =	simm.s32 $_size__tile_overlayer_lowered;
	s8 =	simm.s32 $_tile_overlayer_lowered  }
0x9d: {  	s23 =	simm.s32 $0x1BFF;
	s22 =	sshll.u32 s8, $0x1;
	s5 =	sadd.s32 s6, s20  }
0x9e: {  	s9 =	simm.s32 $0x0;
	s21 =	sshll.u32 s7, $0x1;
	s7 =	sadd.s32 s22, s5  }
0x9f: {  	[timem:s9], [sflag:s23] =	dma.local [hbm:s7], s21  }
0xa0: {  	_ =	swait.ge [sflag:s23], s21  }
0xa1: {  	s6 =	ssub.s32 $0x0, s21;
	[sflag:s23] =	ssyncset.done $0x0  }
0xa2: {  	[sflag:s23] =	ssyncadd.s32 s6;
	_ =	sdelay $0x1  }
0xa3: {  	s24 =	simm.s32 $0x1B8B  }
0xa4: {  	_ =	swait.ge [sflag:s24], $0x1  }
0xa5: {  	[sflag:s24] =	ssyncset.done $0x0  }
0xa6: {  	s25 =	simm.s32 $0x1B8E;
	[sflag:s24] =	ssyncadd.s32 $0xFFFFFFFF  }
0xa7: {  	s26 =	simm.s32 $execute0_lowered;
	[smem:$0x3FD2] =	sst s25  }
0xa8: {  	s6 =	sshll.u32 s26, $0x1;
	_ =	strace $0x80000046;
	[dreg:$0x1] =	wrdreg $0xFFFFFFFF  }
0xa9: {  	s28 =	simm.s32 $_size_execute0_lowered;
	s5 =	sadd.s32 s5, s6;
	[dreg:$0x0] =	wrdreg $0x0  }
0xaa: {  	s6 =	sshll.u32 s28, $0x1;
	[dreg:$0x2] =	wrdreg s5  }
0xab: {  	[dreg:$0x3] =	wrdreg s6  }
0xac: {  	[dreg:$0x4] =	wrdreg $0xC0  }
0xad: {  	_ =	task [dreg:s9], $0x5FFFF  }
0xae: {  	[dreg:$0x1] =	wrdreg $0xFFFFFFFF  }
0xaf: {  	[dreg:$0x0] =	wrdreg $0x60  }
0xb0: {  	[dreg:$0x2] =	wrdreg s2  }
0xb1: {  	[dreg:$0x3] =	wrdreg s19  }
0xb2: {  	[dreg:$0x4] =	wrdreg s4  }
0xb3: {  	[dreg:$0x5] =	wrdreg $0x0  }
0xb4: {  	[dreg:$0x6] =	wrdreg $0x9  }
0xb5: {  	_ =	task.clear_ibuf [dreg:s9], $0x7FFFF;
	_ =	strace $0x90000046  }
0xb6: {  	s29 =	simm.s32 $0x9;
	_ =	strace $0x80000048  }
0xb7: {  	_ =	swait.ge [sflag:s29], $0x1  }
0xb8: {  	[sflag:s29] =	ssyncadd.s32 $0xFFFFFFFF  }
0xb9: {  	_ =	strace $0x90000048  }
0xba: {  	_ =	sfence  }
0xbb: {  	s30 =	sld [smem:$0x0];
	_ =	sdelay $0x2  }
0xbc: {  	s31 =	sshll.u32 s1, $0xD;
	s1 =	sshrl.u32 s1, $0x2  }
0xbd: {  	s3 =	sand.u32 $0x4000, s31;
	s1 =	sadd.s32 s1, s30  }
0xbe: {  	s0 =	sor.u32 s3, s0;
	s1 =	sshll.u32 s1, $0x11  }
0xbf: {  	s0 =	sor.u32 s1, s0  }
0xc0: {  	s0 =	sadd.s32 $0x8F2B, s0  }
0xc1: {  	[sflag:s0] =	ssyncadd.remote.s32 $0x1  }
0xc2: {  	_ =	sfence.sel $0xFFFF  }
0xc3: {  	[dreg:$0x0] =	wrdreg $0xFFFFFFFF;
	(pc) =	sbr.abs _section_cstart, $3  }
0xc4: {  	[dreg:$0x1] =	wrdreg $0xFFFFFFFF  }
0xc5: {  	_ =	task.clear_ibuf [dreg:s9], $0x2FFFF;
	_ =	strace $0x9FFFFFFF  }
0xc6: {  	(tm) =	ssettm $0x7FFFFFFF  }
0xc7: {  	_ =	shalt  }
tec
execute0_lowered:
.L_overlay_start_1:
0x0: {  	(tag) =	ssettag $0x1  }
0x1: {  	s0 =	rddreg [dreg:$0x0]  }
0x2: {  	s1 =	rddreg [dreg:$0x1]  }
0x3: {  	s3 =	rddreg [dreg:$0x2]  }
0x4: {  	s2 =	rddreg [dreg:$0x3];
	s5 =	simm.s32 $0x0;
	s4 =	srdreg.scid  }
0x5: {  	s14 =	stileid.u32;
	s16 =	simm.s32 $0x13880;
	s17 =	simm.s32 $0x7  }
0x6: {  	s18 =	simm.s32 $0x80;
	s19 =	simm.s32 $0x15880;
	s21 =	simm.s32 $0x19880  }
0x7: {  	s20 =	simm.s32 $0x4;
	s28 =	simm.s32 $0x15480;
	s29 =	simm.s32 $0x15500  }
0x8: {  	s30 =	simm.s32 $0x0;
	[smem:$0x7FF] =	sst s5;
	s7 =	smul.u32 $0x4E000, s14  }
0x9: {  	s4 =	sand.u32 $0x1, s4;
	s6 =	sshll.u32 s14, $0xA;
	s25 =	smul.u32 $0x2700, s14  }
0xa: {  	p0 =	seq.s32 s14, $0xF;
	s31 =	sshll.u32 s14, $0x6;
	s14 =	simm.s32 $0x2  }
0xb: {  	_ =	strace $0x80000047;
	s24 =	ssub.s32 $0x2, s4;
	s4 =	sshll.u32 s4, $0x9  }
0xc: {  	s22 =	sor.u32 $0x1C07, s31;
	s8 =	sshrl.u32 s24, $0x1;
	s4 =	sor.u32 s4, s6  }
0xd: {  	s26 =	sshrl.u32 s7, $0x2;
	s6 =	sadd.s32 s1, s25;
	s7 =	simm.s32 $0x2800  }
0xe: {  	s25 =	simm.s32 $0x6;
	s13 =	ssub.s32 s24, s8;
	s5 =	sadd.s32 s0, s4  }
0xf: {  	s0 =	sadd.s32 s26, s2;
	s8 =	simm.s32 $0xFFFFD800;
	s4 =	sshll.u32 s4, $0x4  }
0x10: {  	s7 =	simm.s32 @!p0 $0x2700;
	s24 =	simm.s32 $0x1;
	s26 =	simm.s32 $0x14800  }
0x11: {  	s8 =	simm.s32 @!p0 $0xFFFFD900;
	s9 =	sadd.s32 s3, s4;
	s13 =	smax.u32 s13, $0x1  }
0x12: {  	s23 =	sshrl.u32 s0, $0x3;
	s4 =	simm.s32 $0x3;
	s3 =	simm.s32 $0x5  }
0x13: {  	s10 =	sadd.s32 $0x800, s9;
	s11 =	sadd.s32 $0x1000, s9;
	s12 =	sadd.s32 $0x1800, s9  }
.LBB2_1:
0x14: {  	s0 =	simm.s32 $0x1000;
	s15 =	simm.s32 $0x20000  }
0x15: {  	[tilespmem:s16], [sflag:$0x7] =	stream.strided.gather [hbm4b:s5+s0], $0x2000, s15, s0, $0x38;
	[tilespmem:$0x1D880] =	vst v63  }
0x16: {  	_ =	swait.ge [sflag:s17], $0x2000  }
0x17: {  	[sflag:s17] =	ssyncset.done $0x0  }
0x18: {  	[sflag:s17] =	ssyncadd.s32 $0xFFFFE000  }
0x19: {  	[tilespmem:s19], [sflag:$0x1] =	stream.indirect.gather [hbm4b:s1+s18], $0x80, s16, s18, $0xb8;
	[tilespmem:$0x1D880] =	vst v63  }
0x1a: {  	s15 =	simm.s32 $0x13C80  }
0x1b: {  	[tilespmem:s21], [sflag:$0x2] =	stream.indirect.gather [hbm4b:s1+s18], $0x80, s15, s18, $0xb8;
	[tilespmem:$0x1D880] =	vst v63  }
0x1c: {  	[spmem:s23], [sflag:s22] =	dma.local [hbm:s6], s7  }
0x1d: {  	_ =	swait.ge [sflag:s17], s7  }
0x1e: {  	[sflag:s17] =	ssyncset.done $0x0  }
0x1f: {  	[sflag:s17] =	ssyncadd.s32 s8  }
0x20: {  	[bflag:$0x0] =	sbarrier.arrive $0xFFFF  }
0x21: {  	_ =	swait.ge [sflag:s24], $0x4000  }
0x22: {  	[sflag:s24] =	ssyncset.done $0x0  }
0x23: {  	s15 =	simm.s32 $0x13900;
	[sflag:s24] =	ssyncadd.s32 $0xFFFFC000  }
0x24: {  	[tilespmem:s19], [sflag:$0x3] =	stream.indirect.gather.add.f32 [spmem:s2], $0x80, s15, s18, $0xb8;
	[tilespmem:$0x1D880] =	vst v63  }
0x25: {  	s15 =	simm.s32 $0x13980  }
0x26: {  	[tilespmem:s19], [sflag:$0x3] =	stream.indirect.gather.add.f32 [spmem:s2], $0x80, s15, s18, $0xb8;
	[tilespmem:$0x1D880] =	vst v63  }
0x27: {  	s15 =	simm.s32 $0x13A00  }
0x28: {  	[tilespmem:s19], [sflag:$0x3] =	stream.indirect.gather.add.f32 [spmem:s2], $0x80, s15, s18, $0xb8;
	[tilespmem:$0x1D880] =	vst v63  }
0x29: {  	s15 =	simm.s32 $0x13A80  }
0x2a: {  	[tilespmem:s19], [sflag:$0x3] =	stream.indirect.gather.add.f32 [spmem:s2], $0x80, s15, s18, $0xb8;
	[tilespmem:$0x1D880] =	vst v63  }
0x2b: {  	s15 =	simm.s32 $0x13B00  }
0x2c: {  	[tilespmem:s19], [sflag:$0x3] =	stream.indirect.gather.add.f32 [spmem:s2], $0x80, s15, s18, $0xb8;
	[tilespmem:$0x1D880] =	vst v63  }
0x2d: {  	s15 =	simm.s32 $0x13B80  }
0x2e: {  	[tilespmem:s19], [sflag:$0x3] =	stream.indirect.gather.add.f32 [spmem:s2], $0x80, s15, s18, $0xb8;
	[tilespmem:$0x1D880] =	vst v63  }
0x2f: {  	s15 =	simm.s32 $0x13C00  }
0x30: {  	[tilespmem:s19], [sflag:$0x3] =	stream.indirect.gather.add.f32 [spmem:s2], $0x80, s15, s18, $0xb8;
	[tilespmem:$0x1D880] =	vst v63  }
0x31: {  	s15 =	simm.s32 $0x14880  }
0x32: {  	[tilespmem:s19], [sflag:$0x3] =	stream.indirect.gather.add.f32 [spmem:s2], $0x80, s15, s18, $0xb8;
	[tilespmem:$0x1D880] =	vst v63  }
0x33: {  	s15 =	simm.s32 $0x14900  }
0x34: {  	[tilespmem:s19], [sflag:$0x3] =	stream.indirect.gather.add.f32 [spmem:s2], $0x80, s15, s18, $0xb8;
	[tilespmem:$0x1D880] =	vst v63  }
0x35: {  	_ =	swait.ge [sflag:s14], $0x4000  }
0x36: {  	[sflag:s14] =	ssyncset.done $0x0  }
0x37: {  	s15 =	simm.s32 $0x13D00;
	[sflag:s14] =	ssyncadd.s32 $0xFFFFC000  }
0x38: {  	[tilespmem:s21], [sflag:$0x4] =	stream.indirect.gather.add.f32 [spmem:s2], $0x80, s15, s18, $0xb8;
	[tilespmem:$0x1D880] =	vst v63  }
0x39: {  	s15 =	simm.s32 $0x13D80  }
0x3a: {  	[tilespmem:s21], [sflag:$0x4] =	stream.indirect.gather.add.f32 [spmem:s2], $0x80, s15, s18, $0xb8;
	[tilespmem:$0x1D880] =	vst v63  }
0x3b: {  	s15 =	simm.s32 $0x13E00  }
0x3c: {  	[tilespmem:s21], [sflag:$0x4] =	stream.indirect.gather.add.f32 [spmem:s2], $0x80, s15, s18, $0xb8;
	[tilespmem:$0x1D880] =	vst v63  }
0x3d: {  	s15 =	simm.s32 $0x13E80  }
0x3e: {  	[tilespmem:s21], [sflag:$0x4] =	stream.indirect.gather.add.f32 [spmem:s2], $0x80, s15, s18, $0xb8;
	[tilespmem:$0x1D880] =	vst v63  }
0x3f: {  	s15 =	simm.s32 $0x13F00  }
0x40: {  	[tilespmem:s21], [sflag:$0x4] =	stream.indirect.gather.add.f32 [spmem:s2], $0x80, s15, s18, $0xb8;
	[tilespmem:$0x1D880] =	vst v63  }
0x41: {  	s15 =	simm.s32 $0x13F80  }
0x42: {  	[tilespmem:s21], [sflag:$0x4] =	stream.indirect.gather.add.f32 [spmem:s2], $0x80, s15, s18, $0xb8;
	[tilespmem:$0x1D880] =	vst v63  }
0x43: {  	s15 =	simm.s32 $0x14000  }
0x44: {  	[tilespmem:s21], [sflag:$0x4] =	stream.indirect.gather.add.f32 [spmem:s2], $0x80, s15, s18, $0xb8;
	[tilespmem:$0x1D880] =	vst v63  }
0x45: {  	s15 =	simm.s32 $0x14C80  }
0x46: {  	[tilespmem:s21], [sflag:$0x4] =	stream.indirect.gather.add.f32 [spmem:s2], $0x80, s15, s18, $0xb8;
	[tilespmem:$0x1D880] =	vst v63  }
0x47: {  	s15 =	simm.s32 $0x14D00  }
0x48: {  	[tilespmem:s21], [sflag:$0x4] =	stream.indirect.gather.add.f32 [spmem:s2], $0x80, s15, s18, $0xb8;
	[tilespmem:$0x1D880] =	vst v63  }
0x49: {  	_ =	swait.ge [sflag:s4], $0x4000  }
0x4a: {  	[sflag:s4] =	ssyncset.done $0x0  }
0x4b: {  	[sflag:s4] =	ssyncadd.s32 $0xFFFFC000  }
0x4c: {  	_ =	swait.ge [sflag:s4], $0x4000  }
0x4d: {  	[sflag:s4] =	ssyncset.done $0x0  }
0x4e: {  	[sflag:s4] =	ssyncadd.s32 $0xFFFFC000  }
0x4f: {  	_ =	swait.ge [sflag:s4], $0x4000  }
0x50: {  	[sflag:s4] =	ssyncset.done $0x0  }
0x51: {  	[sflag:s4] =	ssyncadd.s32 $0xFFFFC000  }
0x52: {  	_ =	swait.ge [sflag:s4], $0x4000  }
0x53: {  	[sflag:s4] =	ssyncset.done $0x0  }
0x54: {  	[sflag:s4] =	ssyncadd.s32 $0xFFFFC000  }
0x55: {  	_ =	swait.ge [sflag:s4], $0x4000  }
0x56: {  	[sflag:s4] =	ssyncset.done $0x0  }
0x57: {  	[sflag:s4] =	ssyncadd.s32 $0xFFFFC000  }
0x58: {  	_ =	swait.ge [sflag:s4], $0x4000  }
0x59: {  	[sflag:s4] =	ssyncset.done $0x0  }
0x5a: {  	[sflag:s4] =	ssyncadd.s32 $0xFFFFC000  }
0x5b: {  	_ =	swait.ge [sflag:s4], $0x4000  }
0x5c: {  	[sflag:s4] =	ssyncset.done $0x0  }
0x5d: {  	[sflag:s4] =	ssyncadd.s32 $0xFFFFC000  }
0x5e: {  	_ =	swait.ge [sflag:s4], $0x4000  }
0x5f: {  	[sflag:s4] =	ssyncset.done $0x0  }
0x60: {  	[sflag:s4] =	ssyncadd.s32 $0xFFFFC000  }
0x61: {  	_ =	swait.ge [sflag:s4], $0x4000  }
0x62: {  	[sflag:s4] =	ssyncset.done $0x0  }
0x63: {  	s31 =	simm.s32 $0x0;
	[sflag:s4] =	ssyncadd.s32 $0xFFFFC000  }
0x64: {  	v3 =	vld [tilespmem:s31+$0x15880]  }
0x65: {  	v5 =	vld [tilespmem:s31+$0x15890]  }
0x66: {  	v4 =	vld [tilespmem:s31+$0x158A0]  }
0x67: {  	v2 =	vld [tilespmem:s31+$0x158B0]  }
0x68: {  	v0 =	vld [tilespmem:s31+$0x158C0]  }
0x69: {  	v1 =	vld [tilespmem:s31+$0x158D0];
	v6 =	vmul.f32 $1.000000010e-01, v3  }
0x6a: {  	s0 =	simm.s32 $0x200;
	v5 =	vmul.f32 $1.000000010e-01, v5;
	v3 =	vld [tilespmem:s31+$0x158E0]  }
.LBB2_2:
0x6b: {  	s15 =	sshra.s32 s0, $0x2;
	p0 =	sne.s32 s0, $0xFE00;
	[tilespmem:s31+$0x15880] =	vst v6;
	v4 =	vmul.f32 $1.000000010e-01, v4;
	v6 =	vld [tilespmem:s31+$0x158F0]  }
0x6c: {  	v7 =	vld [tilespmem:s15+$0x15880];
	[tilespmem:s31+$0x15890] =	vst v5;
	v2 =	vmul.f32 $1.000000010e-01, v2  }
0x6d: {  	v5 =	vld [tilespmem:s15+$0x15890];
	[tilespmem:s31+$0x158A0] =	vst v4;
	v0 =	vmul.f32 $1.000000010e-01, v0  }
.Ltmp0:
0x6e: {  	v4 =	vld [tilespmem:s15+$0x158A0];
	[tilespmem:s31+$0x158B0] =	vst v2;
	v1 =	vmul.f32 $1.000000010e-01, v1;
	(pc) =	sbr.rel @p0 .LBB2_2-.Ltmp0, $4  }
0x6f: {  	v2 =	vld [tilespmem:s15+$0x158B0];
	[tilespmem:s31+$0x158C0] =	vst v0;
	v3 =	vmul.f32 $1.000000010e-01, v3  }
0x70: {  	v0 =	vld [tilespmem:s15+$0x158C0];
	[tilespmem:s31+$0x158D0] =	vst v1;
	v8 =	vmul.f32 $1.000000010e-01, v6  }
0x71: {  	v6 =	vmul.f32 $1.000000010e-01, v7;
	v1 =	vld [tilespmem:s15+$0x158D0];
	[tilespmem:s31+$0x158E0] =	vst v3  }
0x72: {  	s0 =	sadd.s32 $0x200, s0;
	v5 =	vmul.f32 $1.000000010e-01, v5;
	v3 =	vld [tilespmem:s15+$0x158E0];
	[tilespmem:s31+$0x158F0] =	vst v8;
	s31 =	smov.u32 s15  }
0x73: {  	[tilespmem:s31+$0x15880] =	vst v6;
	v4 =	vmul.f32 $1.000000010e-01, v4;
	v6 =	vld [tilespmem:s31+$0x158F0]  }
0x74: {  	[tilespmem:s31+$0x15890] =	vst v5;
	v2 =	vmul.f32 $1.000000010e-01, v2  }
0x75: {  	[tilespmem:s31+$0x158A0] =	vst v4;
	v0 =	vmul.f32 $1.000000010e-01, v0  }
0x76: {  	[tilespmem:s31+$0x158B0] =	vst v2;
	v1 =	vmul.f32 $1.000000010e-01, v1  }
0x77: {  	[tilespmem:s31+$0x158C0] =	vst v0;
	v0 =	vmul.f32 $1.000000010e-01, v3  }
0x78: {  	[tilespmem:s31+$0x158D0] =	vst v1;
	v1 =	vmul.f32 $1.000000010e-01, v6  }
0x79: {  	[tilespmem:s31+$0x158E0] =	vst v0  }
0x7a: {  	s0 =	simm.s32 $0x0;
	[tilespmem:s31+$0x158F0] =	vst v1  }
0x7b: {  	[hbm4b:s9+s0] =	stream.linear.scatter [tilespmem:s19], [sflag:$0x5], $0x4000, $0x38;
	[tilespmem:$0x1D880] =	vst v63  }
0x7c: {  	_ =	swait.ge [sflag:s3], $0x4000  }
0x7d: {  	[sflag:s3] =	ssyncset.done $0x0  }
0x7e: {  	s15 =	simm.s32 $0x14080;
	[sflag:s3] =	ssyncadd.s32 $0xFFFFC000  }
0x7f: {  	[tilespmem:s19], [sflag:$0x1] =	stream.indirect.gather [spmem:s2], $0x80, s15, s18, $0xb8;
	[tilespmem:$0x1D880] =	vst v63  }
0x80: {  	_ =	swait.ge [sflag:s24], $0x4000  }
0x81: {  	[sflag:s24] =	ssyncset.done $0x0  }
0x82: {  	s15 =	simm.s32 $0x14100;
	[sflag:s24] =	ssyncadd.s32 $0xFFFFC000  }
0x83: {  	[tilespmem:s19], [sflag:$0x3] =	stream.indirect.gather.add.f32 [spmem:s2], $0x80, s15, s18, $0xb8;
	[tilespmem:$0x1D880] =	vst v63  }
0x84: {  	s15 =	simm.s32 $0x14180  }
0x85: {  	[tilespmem:s19], [sflag:$0x3] =	stream.indirect.gather.add.f32 [spmem:s2], $0x80, s15, s18, $0xb8;
	[tilespmem:$0x1D880] =	vst v63  }
0x86: {  	s15 =	simm.s32 $0x14200  }
0x87: {  	[tilespmem:s19], [sflag:$0x3] =	stream.indirect.gather.add.f32 [spmem:s2], $0x80, s15, s18, $0xb8;
	[tilespmem:$0x1D880] =	vst v63  }
0x88: {  	s15 =	simm.s32 $0x14280  }
0x89: {  	[tilespmem:s19], [sflag:$0x3] =	stream.indirect.gather.add.f32 [spmem:s2], $0x80, s15, s18, $0xb8;
	[tilespmem:$0x1D880] =	vst v63  }
0x8a: {  	s15 =	simm.s32 $0x14300  }
0x8b: {  	[tilespmem:s19], [sflag:$0x3] =	stream.indirect.gather.add.f32 [spmem:s2], $0x80, s15, s18, $0xb8;
	[tilespmem:$0x1D880] =	vst v63  }
0x8c: {  	s15 =	simm.s32 $0x14380  }
0x8d: {  	[tilespmem:s19], [sflag:$0x3] =	stream.indirect.gather.add.f32 [spmem:s2], $0x80, s15, s18, $0xb8;
	[tilespmem:$0x1D880] =	vst v63  }
0x8e: {  	s15 =	simm.s32 $0x14400  }
0x8f: {  	[tilespmem:s19], [sflag:$0x3] =	stream.indirect.gather.add.f32 [spmem:s2], $0x80, s15, s18, $0xb8;
	[tilespmem:$0x1D880] =	vst v63  }
0x90: {  	s15 =	simm.s32 $0x15080  }
0x91: {  	[tilespmem:s19], [sflag:$0x3] =	stream.indirect.gather.add.f32 [spmem:s2], $0x80, s15, s18, $0xb8;
	[tilespmem:$0x1D880] =	vst v63  }
0x92: {  	s15 =	simm.s32 $0x15100  }
0x93: {  	[tilespmem:s19], [sflag:$0x3] =	stream.indirect.gather.add.f32 [spmem:s2], $0x80, s15, s18, $0xb8;
	[tilespmem:$0x1D880] =	vst v63  }
0x94: {  	_ =	swait.ge [sflag:s20], $0x4000  }
0x95: {  	[sflag:s20] =	ssyncset.done $0x0  }
0x96: {  	[sflag:s20] =	ssyncadd.s32 $0xFFFFC000  }
0x97: {  	_ =	swait.ge [sflag:s20], $0x4000  }
0x98: {  	[sflag:s20] =	ssyncset.done $0x0  }
0x99: {  	[sflag:s20] =	ssyncadd.s32 $0xFFFFC000  }
0x9a: {  	_ =	swait.ge [sflag:s20], $0x4000  }
0x9b: {  	[sflag:s20] =	ssyncset.done $0x0  }
0x9c: {  	[sflag:s20] =	ssyncadd.s32 $0xFFFFC000  }
0x9d: {  	_ =	swait.ge [sflag:s20], $0x4000  }
0x9e: {  	[sflag:s20] =	ssyncset.done $0x0  }
0x9f: {  	[sflag:s20] =	ssyncadd.s32 $0xFFFFC000  }
0xa0: {  	_ =	swait.ge [sflag:s20], $0x4000  }
0xa1: {  	[sflag:s20] =	ssyncset.done $0x0  }
0xa2: {  	[sflag:s20] =	ssyncadd.s32 $0xFFFFC000  }
0xa3: {  	_ =	swait.ge [sflag:s20], $0x4000  }
0xa4: {  	[sflag:s20] =	ssyncset.done $0x0  }
0xa5: {  	[sflag:s20] =	ssyncadd.s32 $0xFFFFC000  }
0xa6: {  	_ =	swait.ge [sflag:s20], $0x4000  }
0xa7: {  	[sflag:s20] =	ssyncset.done $0x0  }
0xa8: {  	[sflag:s20] =	ssyncadd.s32 $0xFFFFC000  }
0xa9: {  	_ =	swait.ge [sflag:s20], $0x4000  }
0xaa: {  	[sflag:s20] =	ssyncset.done $0x0  }
0xab: {  	[sflag:s20] =	ssyncadd.s32 $0xFFFFC000  }
0xac: {  	_ =	swait.ge [sflag:s20], $0x4000  }
0xad: {  	[sflag:s20] =	ssyncset.done $0x0  }
0xae: {  	s31 =	simm.s32 $0x0;
	[sflag:s20] =	ssyncadd.s32 $0xFFFFC000  }
0xaf: {  	v3 =	vld [tilespmem:s31+$0x19880]  }
0xb0: {  	v5 =	vld [tilespmem:s31+$0x19890]  }
0xb1: {  	v4 =	vld [tilespmem:s31+$0x198A0]  }
0xb2: {  	v2 =	vld [tilespmem:s31+$0x198B0]  }
0xb3: {  	v0 =	vld [tilespmem:s31+$0x198C0]  }
0xb4: {  	v1 =	vld [tilespmem:s31+$0x198D0];
	v6 =	vmul.f32 $1.000000010e-01, v3  }
0xb5: {  	s0 =	simm.s32 $0x200;
	v5 =	vmul.f32 $1.000000010e-01, v5;
	v3 =	vld [tilespmem:s31+$0x198E0]  }
.LBB2_4:
0xb6: {  	s15 =	sshra.s32 s0, $0x2;
	p0 =	sne.s32 s0, $0xFE00;
	[tilespmem:s31+$0x19880] =	vst v6;
	v4 =	vmul.f32 $1.000000010e-01, v4;
	v6 =	vld [tilespmem:s31+$0x198F0]  }
0xb7: {  	v7 =	vld [tilespmem:s15+$0x19880];
	[tilespmem:s31+$0x19890] =	vst v5;
	v2 =	vmul.f32 $1.000000010e-01, v2  }
0xb8: {  	v5 =	vld [tilespmem:s15+$0x19890];
	[tilespmem:s31+$0x198A0] =	vst v4;
	v0 =	vmul.f32 $1.000000010e-01, v0  }
.Ltmp1:
0xb9: {  	v4 =	vld [tilespmem:s15+$0x198A0];
	[tilespmem:s31+$0x198B0] =	vst v2;
	v1 =	vmul.f32 $1.000000010e-01, v1;
	(pc) =	sbr.rel @p0 .LBB2_4-.Ltmp1, $4  }
0xba: {  	v2 =	vld [tilespmem:s15+$0x198B0];
	[tilespmem:s31+$0x198C0] =	vst v0;
	v3 =	vmul.f32 $1.000000010e-01, v3  }
0xbb: {  	v0 =	vld [tilespmem:s15+$0x198C0];
	[tilespmem:s31+$0x198D0] =	vst v1;
	v8 =	vmul.f32 $1.000000010e-01, v6  }
0xbc: {  	v6 =	vmul.f32 $1.000000010e-01, v7;
	v1 =	vld [tilespmem:s15+$0x198D0];
	[tilespmem:s31+$0x198E0] =	vst v3  }
0xbd: {  	s0 =	sadd.s32 $0x200, s0;
	v5 =	vmul.f32 $1.000000010e-01, v5;
	v3 =	vld [tilespmem:s15+$0x198E0];
	[tilespmem:s31+$0x198F0] =	vst v8;
	s31 =	smov.u32 s15  }
0xbe: {  	[tilespmem:s31+$0x19880] =	vst v6;
	v4 =	vmul.f32 $1.000000010e-01, v4;
	v6 =	vld [tilespmem:s31+$0x198F0]  }
0xbf: {  	[tilespmem:s31+$0x19890] =	vst v5;
	v2 =	vmul.f32 $1.000000010e-01, v2  }
0xc0: {  	[tilespmem:s31+$0x198A0] =	vst v4;
	v0 =	vmul.f32 $1.000000010e-01, v0  }
0xc1: {  	[tilespmem:s31+$0x198B0] =	vst v2;
	v1 =	vmul.f32 $1.000000010e-01, v1  }
0xc2: {  	[tilespmem:s31+$0x198C0] =	vst v0;
	v0 =	vmul.f32 $1.000000010e-01, v3  }
0xc3: {  	[tilespmem:s31+$0x198D0] =	vst v1;
	v1 =	vmul.f32 $1.000000010e-01, v6  }
0xc4: {  	[tilespmem:s31+$0x198E0] =	vst v0  }
0xc5: {  	s0 =	simm.s32 $0x0;
	[tilespmem:s31+$0x198F0] =	vst v1  }
0xc6: {  	[hbm4b:s10+s0] =	stream.linear.scatter [tilespmem:s21], [sflag:$0x6], $0x4000, $0x38;
	[tilespmem:$0x1D880] =	vst v63  }
0xc7: {  	_ =	swait.ge [sflag:s25], $0x4000  }
0xc8: {  	[sflag:s25] =	ssyncset.done $0x0  }
0xc9: {  	s15 =	simm.s32 $0x14480;
	[sflag:s25] =	ssyncadd.s32 $0xFFFFC000  }
0xca: {  	[tilespmem:s21], [sflag:$0x2] =	stream.indirect.gather [spmem:s2], $0x80, s15, s18, $0xb8;
	[tilespmem:$0x1D880] =	vst v63  }
0xcb: {  	_ =	swait.ge [sflag:s14], $0x4000  }
0xcc: {  	[sflag:s14] =	ssyncset.done $0x0  }
0xcd: {  	s15 =	simm.s32 $0x14500;
	[sflag:s14] =	ssyncadd.s32 $0xFFFFC000  }
0xce: {  	[tilespmem:s21], [sflag:$0x4] =	stream.indirect.gather.add.f32 [spmem:s2], $0x80, s15, s18, $0xb8;
	[tilespmem:$0x1D880] =	vst v63  }
0xcf: {  	s15 =	simm.s32 $0x14580  }
0xd0: {  	[tilespmem:s21], [sflag:$0x4] =	stream.indirect.gather.add.f32 [spmem:s2], $0x80, s15, s18, $0xb8;
	[tilespmem:$0x1D880] =	vst v63  }
0xd1: {  	s15 =	simm.s32 $0x14600  }
0xd2: {  	[tilespmem:s21], [sflag:$0x4] =	stream.indirect.gather.add.f32 [spmem:s2], $0x80, s15, s18, $0xb8;
	[tilespmem:$0x1D880] =	vst v63  }
0xd3: {  	s15 =	simm.s32 $0x14680  }
0xd4: {  	[tilespmem:s21], [sflag:$0x4] =	stream.indirect.gather.add.f32 [spmem:s2], $0x80, s15, s18, $0xb8;
	[tilespmem:$0x1D880] =	vst v63  }
0xd5: {  	s15 =	simm.s32 $0x14700  }
0xd6: {  	[tilespmem:s21], [sflag:$0x4] =	stream.indirect.gather.add.f32 [spmem:s2], $0x80, s15, s18, $0xb8;
	[tilespmem:$0x1D880] =	vst v63  }
0xd7: {  	s15 =	simm.s32 $0x14780  }
0xd8: {  	[tilespmem:s21], [sflag:$0x4] =	stream.indirect.gather.add.f32 [spmem:s2], $0x80, s15, s18, $0xb8;
	[tilespmem:$0x1D880] =	vst v63  }
0xd9: {  	_ = 	snop  }
0xda: {  	[tilespmem:s21], [sflag:$0x4] =	stream.indirect.gather.add.f32 [spmem:s2], $0x80, s26, s18, $0xb8;
	[tilespmem:$0x1D880] =	vst v63  }
0xdb: {  	_ = 	snop  }
0xdc: {  	[tilespmem:s21], [sflag:$0x4] =	stream.indirect.gather.add.f32 [spmem:s2], $0x80, s28, s18, $0xb8;
	[tilespmem:$0x1D880] =	vst v63  }
0xdd: {  	_ = 	snop  }
0xde: {  	[tilespmem:s21], [sflag:$0x4] =	stream.indirect.gather.add.f32 [spmem:s2], $0x80, s29, s18, $0xb8;
	[tilespmem:$0x1D880] =	vst v63  }
0xdf: {  	_ =	swait.ge [sflag:s4], $0x4000  }
0xe0: {  	[sflag:s4] =	ssyncset.done $0x0  }
0xe1: {  	[sflag:s4] =	ssyncadd.s32 $0xFFFFC000  }
0xe2: {  	_ =	swait.ge [sflag:s4], $0x4000  }
0xe3: {  	[sflag:s4] =	ssyncset.done $0x0  }
0xe4: {  	[sflag:s4] =	ssyncadd.s32 $0xFFFFC000  }
0xe5: {  	_ =	swait.ge [sflag:s4], $0x4000  }
0xe6: {  	[sflag:s4] =	ssyncset.done $0x0  }
0xe7: {  	[sflag:s4] =	ssyncadd.s32 $0xFFFFC000  }
0xe8: {  	_ =	swait.ge [sflag:s4], $0x4000  }
0xe9: {  	[sflag:s4] =	ssyncset.done $0x0  }
0xea: {  	[sflag:s4] =	ssyncadd.s32 $0xFFFFC000  }
0xeb: {  	_ =	swait.ge [sflag:s4], $0x4000  }
0xec: {  	[sflag:s4] =	ssyncset.done $0x0  }
0xed: {  	[sflag:s4] =	ssyncadd.s32 $0xFFFFC000  }
0xee: {  	_ =	swait.ge [sflag:s4], $0x4000  }
0xef: {  	[sflag:s4] =	ssyncset.done $0x0  }
0xf0: {  	[sflag:s4] =	ssyncadd.s32 $0xFFFFC000  }
0xf1: {  	_ =	swait.ge [sflag:s4], $0x4000  }
0xf2: {  	[sflag:s4] =	ssyncset.done $0x0  }
0xf3: {  	[sflag:s4] =	ssyncadd.s32 $0xFFFFC000  }
0xf4: {  	_ =	swait.ge [sflag:s4], $0x4000  }
0xf5: {  	[sflag:s4] =	ssyncset.done $0x0  }
0xf6: {  	[sflag:s4] =	ssyncadd.s32 $0xFFFFC000  }
0xf7: {  	_ =	swait.ge [sflag:s4], $0x4000  }
0xf8: {  	[sflag:s4] =	ssyncset.done $0x0  }
0xf9: {  	s31 =	simm.s32 $0x0;
	[sflag:s4] =	ssyncadd.s32 $0xFFFFC000  }
0xfa: {  	v3 =	vld [tilespmem:s31+$0x15880]  }
0xfb: {  	v5 =	vld [tilespmem:s31+$0x15890]  }
0xfc: {  	v4 =	vld [tilespmem:s31+$0x158A0]  }
0xfd: {  	v2 =	vld [tilespmem:s31+$0x158B0]  }
0xfe: {  	v0 =	vld [tilespmem:s31+$0x158C0]  }
0xff: {  	v1 =	vld [tilespmem:s31+$0x158D0];
	v6 =	vmul.f32 $1.000000010e-01, v3  }
0x100: {  	s0 =	simm.s32 $0x200;
	v5 =	vmul.f32 $1.000000010e-01, v5;
	v3 =	vld [tilespmem:s31+$0x158E0]  }
.LBB2_6:
0x101: {  	s15 =	sshra.s32 s0, $0x2;
	p0 =	sne.s32 s0, $0xFE00;
	[tilespmem:s31+$0x15880] =	vst v6;
	v4 =	vmul.f32 $1.000000010e-01, v4;
	v6 =	vld [tilespmem:s31+$0x158F0]  }
0x102: {  	v7 =	vld [tilespmem:s15+$0x15880];
	[tilespmem:s31+$0x15890] =	vst v5;
	v2 =	vmul.f32 $1.000000010e-01, v2  }
0x103: {  	v5 =	vld [tilespmem:s15+$0x15890];
	[tilespmem:s31+$0x158A0] =	vst v4;
	v0 =	vmul.f32 $1.000000010e-01, v0  }
.Ltmp2:
0x104: {  	v4 =	vld [tilespmem:s15+$0x158A0];
	[tilespmem:s31+$0x158B0] =	vst v2;
	v1 =	vmul.f32 $1.000000010e-01, v1;
	(pc) =	sbr.rel @p0 .LBB2_6-.Ltmp2, $4  }
0x105: {  	v2 =	vld [tilespmem:s15+$0x158B0];
	[tilespmem:s31+$0x158C0] =	vst v0;
	v3 =	vmul.f32 $1.000000010e-01, v3  }
0x106: {  	v0 =	vld [tilespmem:s15+$0x158C0];
	[tilespmem:s31+$0x158D0] =	vst v1;
	v8 =	vmul.f32 $1.000000010e-01, v6  }
0x107: {  	v6 =	vmul.f32 $1.000000010e-01, v7;
	v1 =	vld [tilespmem:s15+$0x158D0];
	[tilespmem:s31+$0x158E0] =	vst v3  }
0x108: {  	s0 =	sadd.s32 $0x200, s0;
	v5 =	vmul.f32 $1.000000010e-01, v5;
	v3 =	vld [tilespmem:s15+$0x158E0];
	[tilespmem:s31+$0x158F0] =	vst v8;
	s31 =	smov.u32 s15  }
0x109: {  	[tilespmem:s31+$0x15880] =	vst v6;
	v4 =	vmul.f32 $1.000000010e-01, v4;
	v6 =	vld [tilespmem:s31+$0x158F0]  }
0x10a: {  	[tilespmem:s31+$0x15890] =	vst v5;
	v2 =	vmul.f32 $1.000000010e-01, v2  }
0x10b: {  	[tilespmem:s31+$0x158A0] =	vst v4;
	v0 =	vmul.f32 $1.000000010e-01, v0  }
0x10c: {  	[tilespmem:s31+$0x158B0] =	vst v2;
	v1 =	vmul.f32 $1.000000010e-01, v1  }
0x10d: {  	[tilespmem:s31+$0x158C0] =	vst v0;
	v0 =	vmul.f32 $1.000000010e-01, v3  }
0x10e: {  	[tilespmem:s31+$0x158D0] =	vst v1;
	v1 =	vmul.f32 $1.000000010e-01, v6  }
0x10f: {  	[tilespmem:s31+$0x158E0] =	vst v0  }
0x110: {  	s0 =	simm.s32 $0x0;
	[tilespmem:s31+$0x158F0] =	vst v1  }
0x111: {  	[hbm4b:s11+s0] =	stream.linear.scatter [tilespmem:s19], [sflag:$0x5], $0x4000, $0x38;
	[tilespmem:$0x1D880] =	vst v63  }
0x112: {  	_ =	swait.ge [sflag:s20], $0x4000  }
0x113: {  	[sflag:s20] =	ssyncset.done $0x0  }
0x114: {  	[sflag:s20] =	ssyncadd.s32 $0xFFFFC000  }
0x115: {  	_ =	swait.ge [sflag:s20], $0x4000  }
0x116: {  	[sflag:s20] =	ssyncset.done $0x0  }
0x117: {  	[sflag:s20] =	ssyncadd.s32 $0xFFFFC000  }
0x118: {  	_ =	swait.ge [sflag:s20], $0x4000  }
0x119: {  	[sflag:s20] =	ssyncset.done $0x0  }
0x11a: {  	[sflag:s20] =	ssyncadd.s32 $0xFFFFC000  }
0x11b: {  	_ =	swait.ge [sflag:s20], $0x4000  }
0x11c: {  	[sflag:s20] =	ssyncset.done $0x0  }
0x11d: {  	[sflag:s20] =	ssyncadd.s32 $0xFFFFC000  }
0x11e: {  	_ =	swait.ge [sflag:s20], $0x4000  }
0x11f: {  	[sflag:s20] =	ssyncset.done $0x0  }
0x120: {  	[sflag:s20] =	ssyncadd.s32 $0xFFFFC000  }
0x121: {  	_ =	swait.ge [sflag:s20], $0x4000  }
0x122: {  	[sflag:s20] =	ssyncset.done $0x0  }
0x123: {  	[sflag:s20] =	ssyncadd.s32 $0xFFFFC000  }
0x124: {  	_ =	swait.ge [sflag:s20], $0x4000  }
0x125: {  	[sflag:s20] =	ssyncset.done $0x0  }
0x126: {  	[sflag:s20] =	ssyncadd.s32 $0xFFFFC000  }
0x127: {  	_ =	swait.ge [sflag:s20], $0x4000  }
0x128: {  	[sflag:s20] =	ssyncset.done $0x0  }
0x129: {  	[sflag:s20] =	ssyncadd.s32 $0xFFFFC000  }
0x12a: {  	_ =	swait.ge [sflag:s20], $0x4000  }
0x12b: {  	[sflag:s20] =	ssyncset.done $0x0  }
0x12c: {  	s31 =	simm.s32 $0x0;
	[sflag:s20] =	ssyncadd.s32 $0xFFFFC000  }
0x12d: {  	v3 =	vld [tilespmem:s31+$0x19880]  }
0x12e: {  	v5 =	vld [tilespmem:s31+$0x19890]  }
0x12f: {  	v4 =	vld [tilespmem:s31+$0x198A0]  }
0x130: {  	v2 =	vld [tilespmem:s31+$0x198B0]  }
0x131: {  	v0 =	vld [tilespmem:s31+$0x198C0]  }
0x132: {  	v1 =	vld [tilespmem:s31+$0x198D0];
	v6 =	vmul.f32 $1.000000010e-01, v3  }
0x133: {  	s0 =	simm.s32 $0x200;
	v5 =	vmul.f32 $1.000000010e-01, v5;
	v3 =	vld [tilespmem:s31+$0x198E0]  }
.LBB2_8:
0x134: {  	s15 =	sshra.s32 s0, $0x2;
	p0 =	sne.s32 s0, $0xFE00;
	[tilespmem:s31+$0x19880] =	vst v6;
	v4 =	vmul.f32 $1.000000010e-01, v4;
	v6 =	vld [tilespmem:s31+$0x198F0]  }
0x135: {  	v7 =	vld [tilespmem:s15+$0x19880];
	[tilespmem:s31+$0x19890] =	vst v5;
	v2 =	vmul.f32 $1.000000010e-01, v2  }
0x136: {  	v5 =	vld [tilespmem:s15+$0x19890];
	[tilespmem:s31+$0x198A0] =	vst v4;
	v0 =	vmul.f32 $1.000000010e-01, v0  }
.Ltmp3:
0x137: {  	v4 =	vld [tilespmem:s15+$0x198A0];
	[tilespmem:s31+$0x198B0] =	vst v2;
	v1 =	vmul.f32 $1.000000010e-01, v1;
	(pc) =	sbr.rel @p0 .LBB2_8-.Ltmp3, $4  }
0x138: {  	v2 =	vld [tilespmem:s15+$0x198B0];
	[tilespmem:s31+$0x198C0] =	vst v0;
	v3 =	vmul.f32 $1.000000010e-01, v3  }
0x139: {  	v0 =	vld [tilespmem:s15+$0x198C0];
	[tilespmem:s31+$0x198D0] =	vst v1;
	v8 =	vmul.f32 $1.000000010e-01, v6  }
0x13a: {  	v6 =	vmul.f32 $1.000000010e-01, v7;
	v1 =	vld [tilespmem:s15+$0x198D0];
	[tilespmem:s31+$0x198E0] =	vst v3  }
0x13b: {  	s0 =	sadd.s32 $0x200, s0;
	v5 =	vmul.f32 $1.000000010e-01, v5;
	v3 =	vld [tilespmem:s15+$0x198E0];
	[tilespmem:s31+$0x198F0] =	vst v8;
	s31 =	smov.u32 s15  }
0x13c: {  	[tilespmem:s31+$0x19880] =	vst v6;
	v4 =	vmul.f32 $1.000000010e-01, v4;
	v61 =	vld [tilespmem:s31+$0x198F0]  }
0x13d: {  	[tilespmem:s31+$0x19890] =	vst v5;
	v2 =	vmul.f32 $1.000000010e-01, v2  }
0x13e: {  	[tilespmem:s31+$0x198A0] =	vst v4;
	v0 =	vmul.f32 $1.000000010e-01, v0  }
0x13f: {  	[tilespmem:s31+$0x198B0] =	vst v2;
	v1 =	vmul.f32 $1.000000010e-01, v1  }
0x140: {  	[tilespmem:s31+$0x198C0] =	vst v0;
	v62 =	vmul.f32 $1.000000010e-01, v3  }
0x141: {  	[tilespmem:s31+$0x198D0] =	vst v1;
	v63 =	vmul.f32 $1.000000010e-01, v61  }
0x142: {  	[tilespmem:s31+$0x198E0] =	vst v62  }
0x143: {  	s0 =	simm.s32 $0x0;
	s30 =	sadd.s32 $0x1, s30;
	[tilespmem:s31+$0x198F0] =	vst v63  }
0x144: {  	[hbm4b:s12+s0] =	stream.linear.scatter [tilespmem:s21], [sflag:$0x6], $0x4000, $0x38;
	[tilespmem:$0x1D880] =	vst v63  }
0x145: {  	p0 =	sne.s32 s30, s13;
	_ =	swait.ge [sflag:s3], $0x4000  }
.Ltmp4:
0x146: {  	[sflag:s3] =	ssyncset.done $0x0;
	(pc) =	sbr.rel @p0 .LBB2_1-.Ltmp4, $4  }
0x147: {  	[sflag:s3] =	ssyncadd.s32 $0xFFFFC000  }
0x148: {  	_ =	swait.ge [sflag:s25], $0x4000  }
0x149: {  	[sflag:s25] =	ssyncset.done $0x0  }
0x14a: {  	[sflag:s25] =	ssyncadd.s32 $0xFFFFC000  }
0x14b: {  	_ =	sfence.sel $0x180000  }
0x14c: {  	[bflag:$0x0] =	sbarrier.arrive $0xFFFF  }
0x14d: {  	_ =	strace $0x90000047  }
0x14e: {  	s0 =	stileid.u32;
	[bflag:$0x2] =	sbarrier.arrive $0xFFFF  }
0x14f: {  	p0 =	sne.s32 s0, $0x0;
	s0 =	rddreg [dreg:$0x4]  }
0x150: {  	s0 =	sadd.s32 @!p0 $0x100000, s0  }
0x151: {  	[sflag:s0] =	ssyncadd.tile.s32 @!p0 $0x1;
	_ =	shalt  }
.Lfunc_end2:
_tile_overlayer_lowered:
.L_overlay_start_2:
0x152: {  	(tag) =	ssettag $0x2  }
0x153: {  	s0 =	rddreg [dreg:$0x0];
	s2 =	stileid.u32  }
0x154: {  	s1 =	rddreg [dreg:$0x1];
	p0 =	sne.s32 s2, $0x0  }
0x155: {  	s3 =	rddreg [dreg:$0x2];
	[bflag:$0x3] =	sbarrier.arrive $0xFFFF;
	s2 =	simm.s32 @!p0 $0x1C07  }
0x156: {  	[timem:s3], [sflag:s2] =	dma.local @!p0 [hbm:s0], s1  }
0x157: {  	s0 =	simm.s32 @!p0 $0x7  }
0x158: {  	_ =	swait.ge @!p0 [sflag:s0], s1  }
0x159: {  	s1 =	ssub.s32 @!p0 $0x0, s1;
	[sflag:s0] =	ssyncset.done @!p0 $0x0  }
0x15a: {  	[sflag:s0] =	ssyncadd.s32 @!p0 s1  }
0x15b: {  	[bflag:$0x3] =	sbarrier.arrive $0xFFFF  }
0x15c: {  	_ =	shalt  }

</sc_bundles>
